<compile_context>
chip_gen: v7x
topology: tpu7x:2x2x1
jax: 0.10.2.dev20260603
libtpu: 0.0.44.dev20260713+nightly
codegen_flags: <defaults>
</compile_context>

<pallas_src>
import functools

import jax
import jax.numpy as jnp
from jax import lax
from jax.experimental import pallas as pl
from jax.experimental.pallas import tpu as pltpu
from jax.experimental.pallas import tpu_sc as plsc

N_NODES = 10000
N_EDGES = 320000
D_FEAT = 128
D_EDGE = 16
DZ = 256

NC = 2
NS = 16
NW = NC * NS
EPT = N_EDGES // NW
CHUNK = 40
BLK_CHUNKS = 10
BLK = CHUNK * BLK_CHUNKS
NBLK = EPT // BLK
ROWS_PER_TILE = 624
ACC_ROWS = 10240


def _node_tables_body(x_ref, wp_ref, wq_ref, p_ref, q_ref):
    xb = x_ref[...]
    p_ref[...] = jnp.dot(xb, wp_ref[...], preferred_element_type=jnp.float32)
    q_ref[...] = jnp.dot(xb, wq_ref[...], preferred_element_type=jnp.float32)


def _node_tables(x, wp, wq):
    blk = 1000
    grid = N_NODES // blk
    return pl.pallas_call(
        _node_tables_body,
        grid=(grid,),
        in_specs=[
            pl.BlockSpec((blk, D_FEAT), lambda i: (i, 0)),
            pl.BlockSpec((D_FEAT, DZ), lambda i: (0, 0)),
            pl.BlockSpec((D_FEAT, DZ), lambda i: (0, 0)),
        ],
        out_specs=[
            pl.BlockSpec((blk, DZ), lambda i: (i, 0)),
            pl.BlockSpec((blk, DZ), lambda i: (i, 0)),
        ],
        out_shape=[
            jax.ShapeDtypeStruct((N_NODES, DZ), jnp.float32),
            jax.ShapeDtypeStruct((N_NODES, DZ), jnp.float32),
        ],
    )(x, wp, wq)


def _edge_table_body(ea_ref, we_ref, b_ref, e_ref):
    e_ref[...] = (
        jnp.dot(ea_ref[...], we_ref[...], preferred_element_type=jnp.float32)
        + b_ref[...]
    )


def _edge_table(ea, we, bcat):
    blk = 2000
    grid = N_EDGES // blk
    return pl.pallas_call(
        _edge_table_body,
        grid=(grid,),
        in_specs=[
            pl.BlockSpec((blk, D_EDGE), lambda i: (i, 0)),
            pl.BlockSpec((D_EDGE, DZ), lambda i: (0, 0)),
            pl.BlockSpec((1, DZ), lambda i: (0, 0)),
        ],
        out_specs=pl.BlockSpec((blk, DZ), lambda i: (i, 0)),
        out_shape=jax.ShapeDtypeStruct((N_EDGES, DZ), jnp.float32),
    )(ea, we, bcat)


def _softplus(zs):
    a = jnp.abs(zs)
    en = jnp.exp(-a)
    t = en / (en + 2.0)
    t2 = t * t
    poly = ((2.0 / 9.0 * t2 + 2.0 / 7.0) * t2 + 2.0 / 5.0) * t2 + 2.0 / 3.0
    lnm = t * (poly * t2 + 2.0)
    return jnp.maximum(zs, 0.0) + lnm


def _sc_body(p_hbm, q_hbm, e_hbm, dst_hbm, src_hbm, dist_hbm, out_hbm,
             dst_blk, src_blk, wblk, dstbuf, srcbuf, pbuf, qbuf, ebuf, mbuf,
             acc, sem):
    cid = lax.axis_index("c")
    sid = lax.axis_index("s")
    wid = cid * NS + sid
    ebase = wid * EPT

    def _zero_m(i, _):
        for f in range(8):
            mbuf[i, pl.ds(16 * f, 16)] = jnp.zeros((16,), jnp.float32)
        return 0
    lax.fori_loop(0, CHUNK, _zero_m, 0)
    for j in range(16):
        pltpu.sync_copy(mbuf, acc.at[pl.ds(sid * 640 + j * CHUNK, CHUNK)])

    plsc.subcore_barrier()

    def _block(b, _):
        bbase = ebase + b * BLK
        cp_d = pltpu.async_copy(dst_hbm.at[pl.ds(bbase, BLK)], dst_blk, sem)
        cp_s = pltpu.async_copy(src_hbm.at[pl.ds(bbase, BLK)], src_blk, sem)
        cp_w = pltpu.async_copy(dist_hbm.at[pl.ds(bbase, BLK)], wblk, sem)
        cp_d.wait()
        cp_s.wait()
        cp_w.wait()

        def _wgt(i, _):
            d = wblk[pl.ds(16 * i, 16)]
            wblk[pl.ds(16 * i, 16)] = jnp.exp(d * d * (-1.0 / 18.0))
            return 0
        lax.fori_loop(0, BLK // 16, _wgt, 0)

        def _chunk(c, _):
            base = c * CHUNK
            for k in range(CHUNK // 8):
                dstbuf[pl.ds(8 * k, 8)] = dst_blk[pl.ds(base + 8 * k, 8)]
                srcbuf[pl.ds(8 * k, 8)] = src_blk[pl.ds(base + 8 * k, 8)]
            cp_p = pltpu.async_copy(p_hbm.at[dstbuf], pbuf, sem)
            cp_q = pltpu.async_copy(q_hbm.at[srcbuf], qbuf, sem)
            cp_e = pltpu.async_copy(
                e_hbm.at[pl.ds(bbase + base, CHUNK)], ebuf, sem)
            cp_p.wait()
            cp_q.wait()
            cp_e.wait()

            def _edge(e, _):
                boff = base + e
                g = boff // 16
                lane = boff - g * 16
                w16 = wblk[pl.ds(g * 16, 16)]
                wsp = lax.gather(
                    w16, jnp.full((16, 1), lane, jnp.int32),
                    lax.GatherDimensionNumbers(
                        offset_dims=(), collapsed_slice_dims=(0,),
                        start_index_map=(0,)),
                    slice_sizes=(1,),
                    mode=lax.GatherScatterMode.PROMISE_IN_BOUNDS)
                for f in range(8):
                    lo = 16 * f
                    hi = 128 + 16 * f
                    zf = (pbuf[e, pl.ds(lo, 16)] + qbuf[e, pl.ds(lo, 16)]
                          + ebuf[e, pl.ds(lo, 16)])
                    zs = (pbuf[e, pl.ds(hi, 16)] + qbuf[e, pl.ds(hi, 16)]
                          + ebuf[e, pl.ds(hi, 16)])
                    sig = 1.0 / (1.0 + jnp.exp(-zf))
                    mbuf[e, pl.ds(lo, 16)] = sig * _softplus(zs) * wsp
                return 0
            lax.fori_loop(0, CHUNK, _edge, 0)

            pltpu.sync_copy(mbuf, acc.at[dstbuf], add=True)
            return 0
        lax.fori_loop(0, BLK_CHUNKS, _chunk, 0)
        return 0
    lax.fori_loop(0, NBLK, _block, 0)

    plsc.subcore_barrier()

    pltpu.sync_copy(
        acc.at[pl.ds(sid * ROWS_PER_TILE, ROWS_PER_TILE)],
        out_hbm.at[cid, pl.ds(sid * ROWS_PER_TILE, ROWS_PER_TILE)],
    )
    tail = NS * ROWS_PER_TILE

    @pl.when(sid == 0)
    def _copy_tail():
        pltpu.sync_copy(
            acc.at[pl.ds(tail, N_NODES - tail)],
            out_hbm.at[cid, pl.ds(tail, N_NODES - tail)],
        )


def _sc_aggregate(p, q, ecat, dst, src, dist):
    mesh = plsc.VectorSubcoreMesh(core_axis_name="c", subcore_axis_name="s")
    return pl.kernel(
        _sc_body,
        out_type=jax.ShapeDtypeStruct((NC, N_NODES, D_FEAT), jnp.float32),
        mesh=mesh,
        scratch_types=[
            pltpu.VMEM((BLK,), jnp.int32),
            pltpu.VMEM((BLK,), jnp.int32),
            pltpu.VMEM((BLK,), jnp.float32),
            pltpu.VMEM((CHUNK,), jnp.int32),
            pltpu.VMEM((CHUNK,), jnp.int32),
            pltpu.VMEM((CHUNK, DZ), jnp.float32),
            pltpu.VMEM((CHUNK, DZ), jnp.float32),
            pltpu.VMEM((CHUNK, DZ), jnp.float32),
            pltpu.VMEM((CHUNK, D_FEAT), jnp.float32),
            pltpu.VMEM_SHARED((ACC_ROWS, D_FEAT), jnp.float32),
            pltpu.SemaphoreType.DMA,
        ],
    )(p, q, ecat, dst, src, dist)


def _combine_body(part_ref, x_ref, o_ref):
    o_ref[...] = part_ref[0] + part_ref[1] + x_ref[...]


def _combine(partial, x):
    blk = 1000
    grid = N_NODES // blk
    return pl.pallas_call(
        _combine_body,
        grid=(grid,),
        in_specs=[
            pl.BlockSpec((NC, blk, D_FEAT), lambda i: (0, i, 0)),
            pl.BlockSpec((blk, D_FEAT), lambda i: (i, 0)),
        ],
        out_specs=pl.BlockSpec((blk, D_FEAT), lambda i: (i, 0)),
        out_shape=jax.ShapeDtypeStruct((N_NODES, D_FEAT), jnp.float32),
    )(partial, x)


def kernel(x, edge_index, edge_attr, batch, distance, W_f, b_f, W_s, b_s):
    del batch
    F = D_FEAT
    wp = jnp.concatenate([W_f[:, :F].T, W_s[:, :F].T], axis=1)
    wq = jnp.concatenate([W_f[:, F:2 * F].T, W_s[:, F:2 * F].T], axis=1)
    we = jnp.concatenate([W_f[:, 2 * F:].T, W_s[:, 2 * F:].T], axis=1)
    bcat = jnp.concatenate([b_f, b_s]).reshape(1, DZ)

    src = edge_index[0].astype(jnp.int32)
    dst = edge_index[1].astype(jnp.int32)

    p, q = _node_tables(x, wp, wq)
    ecat = _edge_table(edge_attr, we, bcat)
    partial = _sc_aggregate(p, q, ecat, dst, src, distance)
    return _combine(partial, x)

# --- scband reference (transcript-rebuilt; emitter-appended) ---
"""Pipeline reference for scband-rgnn-60636348285181 (READ-ONLY COPY).

The authoritative reference and input builder live on the scoring server;
editing this copy changes nothing except your own understanding.
"""

import jax, jax.numpy as jnp
import numpy as np

N_NODES = 10000
N_EDGES = 320000
D_FEAT = 128
D_EDGE = 16
Z_DIM = 2 * D_FEAT + D_EDGE  # 272


def setup_inputs(seed: int = 0) -> dict:
    key = jax.random.key(seed)
    k_x, k_ei, k_ea, k_d, k_wf, k_bf, k_ws, k_bs = jax.random.split(key, 8)
    x = jax.random.normal(k_x, (N_NODES, D_FEAT), dtype=jnp.float32)
    edge_index = jax.random.randint(k_ei, (2, N_EDGES), 0, N_NODES, dtype=jnp.int64)
    edge_attr = jax.random.normal(k_ea, (N_EDGES, D_EDGE), dtype=jnp.float32)
    batch = jnp.zeros((N_NODES,), dtype=jnp.int64)
    distance = jax.random.uniform(k_d, (N_EDGES,), dtype=jnp.float32)
    # Linear layers: lin_f, lin_s : (Z_DIM -> D_FEAT), kaiming-uniform-like init
    bound_w = float(1.0 / np.sqrt(Z_DIM))
    W_f = jax.random.uniform(k_wf, (D_FEAT, Z_DIM), minval=-bound_w, maxval=bound_w, dtype=jnp.float32)
    b_f = jax.random.uniform(k_bf, (D_FEAT,), minval=-bound_w, maxval=bound_w, dtype=jnp.float32)
    W_s = jax.random.uniform(k_ws, (D_FEAT, Z_DIM), minval=-bound_w, maxval=bound_w, dtype=jnp.float32)
    b_s = jax.random.uniform(k_bs, (D_FEAT,), minval=-bound_w, maxval=bound_w, dtype=jnp.float32)
    return {"x": x, "edge_index": edge_index, "edge_attr": edge_attr, "batch": batch,
            "distance": distance, "W_f": W_f, "b_f": b_f, "W_s": W_s, "b_s": b_s}


def reference(x, edge_index, edge_attr, batch, distance, W_f, b_f, W_s, b_s):
    # CGConv forward, flow='source_to_target', aggr='add', normalization=None, if_exp=True
    src = edge_index[0]  # x_j (source / messages from)
    dst = edge_index[1]  # x_i (target / messages to)
    x_i = jnp.take(x, dst, axis=0)
    x_j = jnp.take(x, src, axis=0)
    z = jnp.concatenate([x_i, x_j, edge_attr], axis=-1)  # [E, 2*F + D]
    zf = z @ W_f.T + b_f
    zs = z @ W_s.T + b_s
    msg = jax.nn.sigmoid(zf) * jax.nn.softplus(zs)
    # if_exp: sigma=3, n=2
    sigma = 3.0
    n = 2.0
    msg = msg * jnp.exp(-(distance ** n) / (sigma ** n) / 2.0)[:, None]
    # scatter-add aggregation onto target nodes
    agg = jnp.zeros_like(x).at[dst].add(msg)
    out = agg + x  # residual: out += x[1]
    return out

if __name__ == "__main__":
    import jax
    _d = setup_inputs()
    print(jax.jit(kernel)(*tuple(_d.values())))

</pallas_src>

<mosaic_0001>
#map = affine_map<(d0, d1) -> (0, 0)>
#map1 = affine_map<(d0, d1) -> (0)>
#map2 = affine_map<(d0, d1) -> (0, 0, 0)>
module attributes {stable_mosaic.version = 14 : i64} {
  func.func @_sc_body(%arg0: i32, %arg1: i32, %arg2: memref<10000x256xf32, #tpu.memory_space<hbm>>, %arg3: memref<10000x256xf32, #tpu.memory_space<hbm>>, %arg4: memref<320000x256xf32, #tpu.memory_space<hbm>>, %arg5: memref<320000xi32, #tpu.memory_space<hbm>>, %arg6: memref<320000xi32, #tpu.memory_space<hbm>>, %arg7: memref<320000xf32, #tpu.memory_space<hbm>>, %arg8: memref<2x10000x128xf32, #tpu.memory_space<hbm>>, %arg9: memref<400xi32, #tpu.memory_space<vmem>>, %arg10: memref<400xi32, #tpu.memory_space<vmem>>, %arg11: memref<400xf32, #tpu.memory_space<vmem>>, %arg12: memref<40xi32, #tpu.memory_space<vmem>>, %arg13: memref<40xi32, #tpu.memory_space<vmem>>, %arg14: memref<40x256xf32, #tpu.memory_space<vmem>>, %arg15: memref<40x256xf32, #tpu.memory_space<vmem>>, %arg16: memref<40x256xf32, #tpu.memory_space<vmem>>, %arg17: memref<40x128xf32, #tpu.memory_space<vmem>>, %arg18: memref<10240x128xf32, #tpu.memory_space<vmem_shared>>, %arg19: memref<!tpu.dma_semaphore, #tpu.memory_space<semaphore_mem>>) attributes {dimension_semantics = [#tpu.dimension_semantics<core_parallel>, #tpu.dimension_semantics<subcore_parallel>], iteration_bounds = array<i64: 2, 16>, scalar_prefetch = 0 : i64, scratch_operands = 11 : i64, tpu.core_type = #tpu.core_type<sc_vector_subcore>, window_params = [{transform_indices = #map}, {transform_indices = #map}, {transform_indices = #map}, {transform_indices = #map1}, {transform_indices = #map1}, {transform_indices = #map1}, {transform_indices = #map2}]} {
    %mul3A = arith.constant 16 : i32
    %mul3A_0 = arith.muli %arg0, %mul3A : i32
    %add3A = arith.addi %mul3A_0, %arg1 : i32
    %mul3A_1 = arith.constant 10000 : i32
    %mul3A_2 = arith.muli %add3A, %mul3A_1 : i32
    %scan3A = arith.constant 0 : i32
    %scan3A_3 = arith.constant 0 : i32
    %scan3A_4 = arith.constant 40 : i32
    %scan3A_5 = arith.addi %scan3A_3, %scan3A_4 : i32
    %scan3A_6 = arith.constant 1 : i32
    %scan3A_7 = scf.for %scan3A_87 = %scan3A_3 to %scan3A_5 step %scan3A_6 iter_args(%scan3A_88 = %scan3A) -> (i32)  : i32 {
      %broadcast_in_dim3A = arith.constant 0.000000e+00 : f32
      %broadcast_in_dim3A_89 = vector.broadcast %broadcast_in_dim3A : f32 to vector<16xf32>
      %swap3A = arith.index_cast %scan3A_87 : i32 to index
      %swap3A_90 = arith.constant 0 : index
      %swap3A_91 = tpu.vector_load %arg17[%swap3A, %swap3A_90] {strides = array<i32>} : memref<40x128xf32, #tpu.memory_space<vmem>>, vector<1x16xf32>,
      %swap3A_92 = vector.shape_cast %swap3A_91 : vector<1x16xf32> to vector<16xf32>
      %swap3A_93 = vector.shape_cast %broadcast_in_dim3A_89 : vector<16xf32> to vector<1x16xf32>
      tpu.vector_store %arg17[%swap3A, %swap3A_90], %swap3A_93 {strides = array<i32>} : memref<40x128xf32, #tpu.memory_space<vmem>>, vector<1x16xf32>,
      %broadcast_in_dim3A_94 = arith.constant 0.000000e+00 : f32
      %broadcast_in_dim3A_95 = vector.broadcast %broadcast_in_dim3A_94 : f32 to vector<16xf32>
      %swap3A_96 = arith.index_cast %scan3A_87 : i32 to index
      %swap3A_97 = arith.constant 16 : index
      %swap3A_98 = tpu.vector_load %arg17[%swap3A_96, %swap3A_97] {strides = array<i32>} : memref<40x128xf32, #tpu.memory_space<vmem>>, vector<1x16xf32>,
      %swap3A_99 = vector.shape_cast %swap3A_98 : vector<1x16xf32> to vector<16xf32>
      %swap3A_100 = vector.shape_cast %broadcast_in_dim3A_95 : vector<16xf32> to vector<1x16xf32>
      tpu.vector_store %arg17[%swap3A_96, %swap3A_97], %swap3A_100 {strides = array<i32>} : memref<40x128xf32, #tpu.memory_space<vmem>>, vector<1x16xf32>,
      %broadcast_in_dim3A_101 = arith.constant 0.000000e+00 : f32
      %broadcast_in_dim3A_102 = vector.broadcast %broadcast_in_dim3A_101 : f32 to vector<16xf32>
      %swap3A_103 = arith.index_cast %scan3A_87 : i32 to index
      %swap3A_104 = arith.constant 32 : index
      %swap3A_105 = tpu.vector_load %arg17[%swap3A_103, %swap3A_104] {strides = array<i32>} : memref<40x128xf32, #tpu.memory_space<vmem>>, vector<1x16xf32>,
      %swap3A_106 = vector.shape_cast %swap3A_105 : vector<1x16xf32> to vector<16xf32>
      %swap3A_107 = vector.shape_cast %broadcast_in_dim3A_102 : vector<16xf32> to vector<1x16xf32>
      tpu.vector_store %arg17[%swap3A_103, %swap3A_104], %swap3A_107 {strides = array<i32>} : memref<40x128xf32, #tpu.memory_space<vmem>>, vector<1x16xf32>,
      %broadcast_in_dim3A_108 = arith.constant 0.000000e+00 : f32
      %broadcast_in_dim3A_109 = vector.broadcast %broadcast_in_dim3A_108 : f32 to vector<16xf32>
      %swap3A_110 = arith.index_cast %scan3A_87 : i32 to index
      %swap3A_111 = arith.constant 48 : index
      %swap3A_112 = tpu.vector_load %arg17[%swap3A_110, %swap3A_111] {strides = array<i32>} : memref<40x128xf32, #tpu.memory_space<vmem>>, vector<1x16xf32>,
      %swap3A_113 = vector.shape_cast %swap3A_112 : vector<1x16xf32> to vector<16xf32>
      %swap3A_114 = vector.shape_cast %broadcast_in_dim3A_109 : vector<16xf32> to vector<1x16xf32>
      tpu.vector_store %arg17[%swap3A_110, %swap3A_111], %swap3A_114 {strides = array<i32>} : memref<40x128xf32, #tpu.memory_space<vmem>>, vector<1x16xf32>,
      %broadcast_in_dim3A_115 = arith.constant 0.000000e+00 : f32
      %broadcast_in_dim3A_116 = vector.broadcast %broadcast_in_dim3A_115 : f32 to vector<16xf32>
      %swap3A_117 = arith.index_cast %scan3A_87 : i32 to index
      %swap3A_118 = arith.constant 64 : index
      %swap3A_119 = tpu.vector_load %arg17[%swap3A_117, %swap3A_118] {strides = array<i32>} : memref<40x128xf32, #tpu.memory_space<vmem>>, vector<1x16xf32>,
      %swap3A_120 = vector.shape_cast %swap3A_119 : vector<1x16xf32> to vector<16xf32>
      %swap3A_121 = vector.shape_cast %broadcast_in_dim3A_116 : vector<16xf32> to vector<1x16xf32>
      tpu.vector_store %arg17[%swap3A_117, %swap3A_118], %swap3A_121 {strides = array<i32>} : memref<40x128xf32, #tpu.memory_space<vmem>>, vector<1x16xf32>,
      %broadcast_in_dim3A_122 = arith.constant 0.000000e+00 : f32
      %broadcast_in_dim3A_123 = vector.broadcast %broadcast_in_dim3A_122 : f32 to vector<16xf32>
      %swap3A_124 = arith.index_cast %scan3A_87 : i32 to index
      %swap3A_125 = arith.constant 80 : index
      %swap3A_126 = tpu.vector_load %arg17[%swap3A_124, %swap3A_125] {strides = array<i32>} : memref<40x128xf32, #tpu.memory_space<vmem>>, vector<1x16xf32>,
      %swap3A_127 = vector.shape_cast %swap3A_126 : vector<1x16xf32> to vector<16xf32>
      %swap3A_128 = vector.shape_cast %broadcast_in_dim3A_123 : vector<16xf32> to vector<1x16xf32>
      tpu.vector_store %arg17[%swap3A_124, %swap3A_125], %swap3A_128 {strides = array<i32>} : memref<40x128xf32, #tpu.memory_space<vmem>>, vector<1x16xf32>,
      %broadcast_in_dim3A_129 = arith.constant 0.000000e+00 : f32
      %broadcast_in_dim3A_130 = vector.broadcast %broadcast_in_dim3A_129 : f32 to vector<16xf32>
      %swap3A_131 = arith.index_cast %scan3A_87 : i32 to index
      %swap3A_132 = arith.constant 96 : index
      %swap3A_133 = tpu.vector_load %arg17[%swap3A_131, %swap3A_132] {strides = array<i32>} : memref<40x128xf32, #tpu.memory_space<vmem>>, vector<1x16xf32>,
      %swap3A_134 = vector.shape_cast %swap3A_133 : vector<1x16xf32> to vector<16xf32>
      %swap3A_135 = vector.shape_cast %broadcast_in_dim3A_130 : vector<16xf32> to vector<1x16xf32>
      tpu.vector_store %arg17[%swap3A_131, %swap3A_132], %swap3A_135 {strides = array<i32>} : memref<40x128xf32, #tpu.memory_space<vmem>>, vector<1x16xf32>,
      %broadcast_in_dim3A_136 = arith.constant 0.000000e+00 : f32
      %broadcast_in_dim3A_137 = vector.broadcast %broadcast_in_dim3A_136 : f32 to vector<16xf32>
      %swap3A_138 = arith.index_cast %scan3A_87 : i32 to index
      %swap3A_139 = arith.constant 112 : index
      %swap3A_140 = tpu.vector_load %arg17[%swap3A_138, %swap3A_139] {strides = array<i32>} : memref<40x128xf32, #tpu.memory_space<vmem>>, vector<1x16xf32>,
      %swap3A_141 = vector.shape_cast %swap3A_140 : vector<1x16xf32> to vector<16xf32>
      %swap3A_142 = vector.shape_cast %broadcast_in_dim3A_137 : vector<16xf32> to vector<1x16xf32>
      tpu.vector_store %arg17[%swap3A_138, %swap3A_139], %swap3A_142 {strides = array<i32>} : memref<40x128xf32, #tpu.memory_space<vmem>>, vector<1x16xf32>,
      %scan3A_143 = arith.constant 0 : i32
      scf.yield %scan3A_143 : i32
    }
    %scan3A_8 = arith.constant 40 : i32
    %mul3A_9 = arith.constant 640 : i32
    %mul3A_10 = arith.muli %arg1, %mul3A_9 : i32
    %add3A_11 = arith.constant 0 : i32
    %add3A_12 = arith.addi %mul3A_10, %add3A_11 : i32
    "tpu.region"() ({
      %run_scoped3A = tpu.sem_alloc : memref<!tpu.dma_semaphore, #tpu.memory_space<semaphore_mem>>
      %dma_start3A = arith.constant 0 : i32
      %dma_start3A_87 = tpu.memref_slice %arg18[%add3A_12, %dma_start3A] : memref<10240x128xf32, #tpu.memory_space<vmem_shared>> -> memref<40x128xf32, #tpu.memory_space<vmem_shared>>
      %dma_start3A_88 = arith.constant 0 : i32
      %dma_start3A_89 = tpu.memref_slice %arg18[%add3A_12, %dma_start3A_88] : memref<10240x128xf32, #tpu.memory_space<vmem_shared>> -> memref<40x128xf32, #tpu.memory_space<vmem_shared>>
      tpu.enqueue_dma source(%arg17 : memref<40x128xf32, #tpu.memory_space<vmem>>) target(%dma_start3A_89 : memref<40x128xf32, #tpu.memory_space<vmem_shared>>) target_semaphore(%run_scoped3A : memref<!tpu.dma_semaphore, #tpu.memory_space<semaphore_mem>>)
      %dma_wait3A = arith.constant 0 : i32
      %dma_wait3A_90 = tpu.memref_slice %arg18[%add3A_12, %dma_wait3A] : memref<10240x128xf32, #tpu.memory_space<vmem_shared>> -> memref<40x128xf32, #tpu.memory_space<vmem_shared>>
      %dma_wait3A_91 = arith.constant 0 : i32
      %dma_wait3A_92 = tpu.memref_slice %arg18[%add3A_12, %dma_wait3A_91] : memref<10240x128xf32, #tpu.memory_space<vmem_shared>> -> memref<40x128xf32, #tpu.memory_space<vmem_shared>>
      tpu.wait_dma2 semaphore(%run_scoped3A : memref<!tpu.dma_semaphore, #tpu.memory_space<semaphore_mem>>) src(%arg17 : memref<40x128xf32, #tpu.memory_space<vmem>>) dst(%dma_wait3A_92 : memref<40x128xf32, #tpu.memory_space<vmem_shared>>)
      tpu.yield
    }) : () -> ()
    %mul3A_13 = arith.constant 640 : i32
    %mul3A_14 = arith.muli %arg1, %mul3A_13 : i32
    %add3A_15 = arith.constant 40 : i32
    %add3A_16 = arith.addi %mul3A_14, %add3A_15 : i32
    "tpu.region"() ({
      %run_scoped3A = tpu.sem_alloc : memref<!tpu.dma_semaphore, #tpu.memory_space<semaphore_mem>>
      %dma_start3A = arith.constant 0 : i32
      %dma_start3A_87 = tpu.memref_slice %arg18[%add3A_16, %dma_start3A] : memref<10240x128xf32, #tpu.memory_space<vmem_shared>> -> memref<40x128xf32, #tpu.memory_space<vmem_shared>>
      %dma_start3A_88 = arith.constant 0 : i32
      %dma_start3A_89 = tpu.memref_slice %arg18[%add3A_16, %dma_start3A_88] : memref<10240x128xf32, #tpu.memory_space<vmem_shared>> -> memref<40x128xf32, #tpu.memory_space<vmem_shared>>
      tpu.enqueue_dma source(%arg17 : memref<40x128xf32, #tpu.memory_space<vmem>>) target(%dma_start3A_89 : memref<40x128xf32, #tpu.memory_space<vmem_shared>>) target_semaphore(%run_scoped3A : memref<!tpu.dma_semaphore, #tpu.memory_space<semaphore_mem>>)
      %dma_wait3A = arith.constant 0 : i32
      %dma_wait3A_90 = tpu.memref_slice %arg18[%add3A_16, %dma_wait3A] : memref<10240x128xf32, #tpu.memory_space<vmem_shared>> -> memref<40x128xf32, #tpu.memory_space<vmem_shared>>
      %dma_wait3A_91 = arith.constant 0 : i32
      %dma_wait3A_92 = tpu.memref_slice %arg18[%add3A_16, %dma_wait3A_91] : memref<10240x128xf32, #tpu.memory_space<vmem_shared>> -> memref<40x128xf32, #tpu.memory_space<vmem_shared>>
      tpu.wait_dma2 semaphore(%run_scoped3A : memref<!tpu.dma_semaphore, #tpu.memory_space<semaphore_mem>>) src(%arg17 : memref<40x128xf32, #tpu.memory_space<vmem>>) dst(%dma_wait3A_92 : memref<40x128xf32, #tpu.memory_space<vmem_shared>>)
      tpu.yield
    }) : () -> ()
    %mul3A_17 = arith.constant 640 : i32
    %mul3A_18 = arith.muli %arg1, %mul3A_17 : i32
    %add3A_19 = arith.constant 80 : i32
    %add3A_20 = arith.addi %mul3A_18, %add3A_19 : i32
    "tpu.region"() ({
      %run_scoped3A = tpu.sem_alloc : memref<!tpu.dma_semaphore, #tpu.memory_space<semaphore_mem>>
      %dma_start3A = arith.constant 0 : i32
      %dma_start3A_87 = tpu.memref_slice %arg18[%add3A_20, %dma_start3A] : memref<10240x128xf32, #tpu.memory_space<vmem_shared>> -> memref<40x128xf32, #tpu.memory_space<vmem_shared>>
      %dma_start3A_88 = arith.constant 0 : i32
      %dma_start3A_89 = tpu.memref_slice %arg18[%add3A_20, %dma_start3A_88] : memref<10240x128xf32, #tpu.memory_space<vmem_shared>> -> memref<40x128xf32, #tpu.memory_space<vmem_shared>>
      tpu.enqueue_dma source(%arg17 : memref<40x128xf32, #tpu.memory_space<vmem>>) target(%dma_start3A_89 : memref<40x128xf32, #tpu.memory_space<vmem_shared>>) target_semaphore(%run_scoped3A : memref<!tpu.dma_semaphore, #tpu.memory_space<semaphore_mem>>)
      %dma_wait3A = arith.constant 0 : i32
      %dma_wait3A_90 = tpu.memref_slice %arg18[%add3A_20, %dma_wait3A] : memref<10240x128xf32, #tpu.memory_space<vmem_shared>> -> memref<40x128xf32, #tpu.memory_space<vmem_shared>>
      %dma_wait3A_91 = arith.constant 0 : i32
      %dma_wait3A_92 = tpu.memref_slice %arg18[%add3A_20, %dma_wait3A_91] : memref<10240x128xf32, #tpu.memory_space<vmem_shared>> -> memref<40x128xf32, #tpu.memory_space<vmem_shared>>
      tpu.wait_dma2 semaphore(%run_scoped3A : memref<!tpu.dma_semaphore, #tpu.memory_space<semaphore_mem>>) src(%arg17 : memref<40x128xf32, #tpu.memory_space<vmem>>) dst(%dma_wait3A_92 : memref<40x128xf32, #tpu.memory_space<vmem_shared>>)
      tpu.yield
    }) : () -> ()
    %mul3A_21 = arith.constant 640 : i32
    %mul3A_22 = arith.muli %arg1, %mul3A_21 : i32
    %add3A_23 = arith.constant 120 : i32
    %add3A_24 = arith.addi %mul3A_22, %add3A_23 : i32
    "tpu.region"() ({
      %run_scoped3A = tpu.sem_alloc : memref<!tpu.dma_semaphore, #tpu.memory_space<semaphore_mem>>
      %dma_start3A = arith.constant 0 : i32
      %dma_start3A_87 = tpu.memref_slice %arg18[%add3A_24, %dma_start3A] : memref<10240x128xf32, #tpu.memory_space<vmem_shared>> -> memref<40x128xf32, #tpu.memory_space<vmem_shared>>
      %dma_start3A_88 = arith.constant 0 : i32
      %dma_start3A_89 = tpu.memref_slice %arg18[%add3A_24, %dma_start3A_88] : memref<10240x128xf32, #tpu.memory_space<vmem_shared>> -> memref<40x128xf32, #tpu.memory_space<vmem_shared>>
      tpu.enqueue_dma source(%arg17 : memref<40x128xf32, #tpu.memory_space<vmem>>) target(%dma_start3A_89 : memref<40x128xf32, #tpu.memory_space<vmem_shared>>) target_semaphore(%run_scoped3A : memref<!tpu.dma_semaphore, #tpu.memory_space<semaphore_mem>>)
      %dma_wait3A = arith.constant 0 : i32
      %dma_wait3A_90 = tpu.memref_slice %arg18[%add3A_24, %dma_wait3A] : memref<10240x128xf32, #tpu.memory_space<vmem_shared>> -> memref<40x128xf32, #tpu.memory_space<vmem_shared>>
      %dma_wait3A_91 = arith.constant 0 : i32
      %dma_wait3A_92 = tpu.memref_slice %arg18[%add3A_24, %dma_wait3A_91] : memref<10240x128xf32, #tpu.memory_space<vmem_shared>> -> memref<40x128xf32, #tpu.memory_space<vmem_shared>>
      tpu.wait_dma2 semaphore(%run_scoped3A : memref<!tpu.dma_semaphore, #tpu.memory_space<semaphore_mem>>) src(%arg17 : memref<40x128xf32, #tpu.memory_space<vmem>>) dst(%dma_wait3A_92 : memref<40x128xf32, #tpu.memory_space<vmem_shared>>)
      tpu.yield
    }) : () -> ()
    %mul3A_25 = arith.constant 640 : i32
    %mul3A_26 = arith.muli %arg1, %mul3A_25 : i32
    %add3A_27 = arith.constant 160 : i32
    %add3A_28 = arith.addi %mul3A_26, %add3A_27 : i32
    "tpu.region"() ({
      %run_scoped3A = tpu.sem_alloc : memref<!tpu.dma_semaphore, #tpu.memory_space<semaphore_mem>>
      %dma_start3A = arith.constant 0 : i32
      %dma_start3A_87 = tpu.memref_slice %arg18[%add3A_28, %dma_start3A] : memref<10240x128xf32, #tpu.memory_space<vmem_shared>> -> memref<40x128xf32, #tpu.memory_space<vmem_shared>>
      %dma_start3A_88 = arith.constant 0 : i32
      %dma_start3A_89 = tpu.memref_slice %arg18[%add3A_28, %dma_start3A_88] : memref<10240x128xf32, #tpu.memory_space<vmem_shared>> -> memref<40x128xf32, #tpu.memory_space<vmem_shared>>
      tpu.enqueue_dma source(%arg17 : memref<40x128xf32, #tpu.memory_space<vmem>>) target(%dma_start3A_89 : memref<40x128xf32, #tpu.memory_space<vmem_shared>>) target_semaphore(%run_scoped3A : memref<!tpu.dma_semaphore, #tpu.memory_space<semaphore_mem>>)
      %dma_wait3A = arith.constant 0 : i32
      %dma_wait3A_90 = tpu.memref_slice %arg18[%add3A_28, %dma_wait3A] : memref<10240x128xf32, #tpu.memory_space<vmem_shared>> -> memref<40x128xf32, #tpu.memory_space<vmem_shared>>
      %dma_wait3A_91 = arith.constant 0 : i32
      %dma_wait3A_92 = tpu.memref_slice %arg18[%add3A_28, %dma_wait3A_91] : memref<10240x128xf32, #tpu.memory_space<vmem_shared>> -> memref<40x128xf32, #tpu.memory_space<vmem_shared>>
      tpu.wait_dma2 semaphore(%run_scoped3A : memref<!tpu.dma_semaphore, #tpu.memory_space<semaphore_mem>>) src(%arg17 : memref<40x128xf32, #tpu.memory_space<vmem>>) dst(%dma_wait3A_92 : memref<40x128xf32, #tpu.memory_space<vmem_shared>>)
      tpu.yield
    }) : () -> ()
    %mul3A_29 = arith.constant 640 : i32
    %mul3A_30 = arith.muli %arg1, %mul3A_29 : i32
    %add3A_31 = arith.constant 200 : i32
    %add3A_32 = arith.addi %mul3A_30, %add3A_31 : i32
    "tpu.region"() ({
      %run_scoped3A = tpu.sem_alloc : memref<!tpu.dma_semaphore, #tpu.memory_space<semaphore_mem>>
      %dma_start3A = arith.constant 0 : i32
      %dma_start3A_87 = tpu.memref_slice %arg18[%add3A_32, %dma_start3A] : memref<10240x128xf32, #tpu.memory_space<vmem_shared>> -> memref<40x128xf32, #tpu.memory_space<vmem_shared>>
      %dma_start3A_88 = arith.constant 0 : i32
      %dma_start3A_89 = tpu.memref_slice %arg18[%add3A_32, %dma_start3A_88] : memref<10240x128xf32, #tpu.memory_space<vmem_shared>> -> memref<40x128xf32, #tpu.memory_space<vmem_shared>>
      tpu.enqueue_dma source(%arg17 : memref<40x128xf32, #tpu.memory_space<vmem>>) target(%dma_start3A_89 : memref<40x128xf32, #tpu.memory_space<vmem_shared>>) target_semaphore(%run_scoped3A : memref<!tpu.dma_semaphore, #tpu.memory_space<semaphore_mem>>)
      %dma_wait3A = arith.constant 0 : i32
      %dma_wait3A_90 = tpu.memref_slice %arg18[%add3A_32, %dma_wait3A] : memref<10240x128xf32, #tpu.memory_space<vmem_shared>> -> memref<40x128xf32, #tpu.memory_space<vmem_shared>>
      %dma_wait3A_91 = arith.constant 0 : i32
      %dma_wait3A_92 = tpu.memref_slice %arg18[%add3A_32, %dma_wait3A_91] : memref<10240x128xf32, #tpu.memory_space<vmem_shared>> -> memref<40x128xf32, #tpu.memory_space<vmem_shared>>
      tpu.wait_dma2 semaphore(%run_scoped3A : memref<!tpu.dma_semaphore, #tpu.memory_space<semaphore_mem>>) src(%arg17 : memref<40x128xf32, #tpu.memory_space<vmem>>) dst(%dma_wait3A_92 : memref<40x128xf32, #tpu.memory_space<vmem_shared>>)
      tpu.yield
    }) : () -> ()
    %mul3A_33 = arith.constant 640 : i32
    %mul3A_34 = arith.muli %arg1, %mul3A_33 : i32
    %add3A_35 = arith.constant 240 : i32
    %add3A_36 = arith.addi %mul3A_34, %add3A_35 : i32
    "tpu.region"() ({
      %run_scoped3A = tpu.sem_alloc : memref<!tpu.dma_semaphore, #tpu.memory_space<semaphore_mem>>
      %dma_start3A = arith.constant 0 : i32
      %dma_start3A_87 = tpu.memref_slice %arg18[%add3A_36, %dma_start3A] : memref<10240x128xf32, #tpu.memory_space<vmem_shared>> -> memref<40x128xf32, #tpu.memory_space<vmem_shared>>
      %dma_start3A_88 = arith.constant 0 : i32
      %dma_start3A_89 = tpu.memref_slice %arg18[%add3A_36, %dma_start3A_88] : memref<10240x128xf32, #tpu.memory_space<vmem_shared>> -> memref<40x128xf32, #tpu.memory_space<vmem_shared>>
      tpu.enqueue_dma source(%arg17 : memref<40x128xf32, #tpu.memory_space<vmem>>) target(%dma_start3A_89 : memref<40x128xf32, #tpu.memory_space<vmem_shared>>) target_semaphore(%run_scoped3A : memref<!tpu.dma_semaphore, #tpu.memory_space<semaphore_mem>>)
      %dma_wait3A = arith.constant 0 : i32
      %dma_wait3A_90 = tpu.memref_slice %arg18[%add3A_36, %dma_wait3A] : memref<10240x128xf32, #tpu.memory_space<vmem_shared>> -> memref<40x128xf32, #tpu.memory_space<vmem_shared>>
      %dma_wait3A_91 = arith.constant 0 : i32
      %dma_wait3A_92 = tpu.memref_slice %arg18[%add3A_36, %dma_wait3A_91] : memref<10240x128xf32, #tpu.memory_space<vmem_shared>> -> memref<40x128xf32, #tpu.memory_space<vmem_shared>>
      tpu.wait_dma2 semaphore(%run_scoped3A : memref<!tpu.dma_semaphore, #tpu.memory_space<semaphore_mem>>) src(%arg17 : memref<40x128xf32, #tpu.memory_space<vmem>>) dst(%dma_wait3A_92 : memref<40x128xf32, #tpu.memory_space<vmem_shared>>)
      tpu.yield
    }) : () -> ()
    %mul3A_37 = arith.constant 640 : i32
    %mul3A_38 = arith.muli %arg1, %mul3A_37 : i32
    %add3A_39 = arith.constant 280 : i32
    %add3A_40 = arith.addi %mul3A_38, %add3A_39 : i32
    "tpu.region"() ({
      %run_scoped3A = tpu.sem_alloc : memref<!tpu.dma_semaphore, #tpu.memory_space<semaphore_mem>>
      %dma_start3A = arith.constant 0 : i32
      %dma_start3A_87 = tpu.memref_slice %arg18[%add3A_40, %dma_start3A] : memref<10240x128xf32, #tpu.memory_space<vmem_shared>> -> memref<40x128xf32, #tpu.memory_space<vmem_shared>>
      %dma_start3A_88 = arith.constant 0 : i32
      %dma_start3A_89 = tpu.memref_slice %arg18[%add3A_40, %dma_start3A_88] : memref<10240x128xf32, #tpu.memory_space<vmem_shared>> -> memref<40x128xf32, #tpu.memory_space<vmem_shared>>
      tpu.enqueue_dma source(%arg17 : memref<40x128xf32, #tpu.memory_space<vmem>>) target(%dma_start3A_89 : memref<40x128xf32, #tpu.memory_space<vmem_shared>>) target_semaphore(%run_scoped3A : memref<!tpu.dma_semaphore, #tpu.memory_space<semaphore_mem>>)
      %dma_wait3A = arith.constant 0 : i32
      %dma_wait3A_90 = tpu.memref_slice %arg18[%add3A_40, %dma_wait3A] : memref<10240x128xf32, #tpu.memory_space<vmem_shared>> -> memref<40x128xf32, #tpu.memory_space<vmem_shared>>
      %dma_wait3A_91 = arith.constant 0 : i32
      %dma_wait3A_92 = tpu.memref_slice %arg18[%add3A_40, %dma_wait3A_91] : memref<10240x128xf32, #tpu.memory_space<vmem_shared>> -> memref<40x128xf32, #tpu.memory_space<vmem_shared>>
      tpu.wait_dma2 semaphore(%run_scoped3A : memref<!tpu.dma_semaphore, #tpu.memory_space<semaphore_mem>>) src(%arg17 : memref<40x128xf32, #tpu.memory_space<vmem>>) dst(%dma_wait3A_92 : memref<40x128xf32, #tpu.memory_space<vmem_shared>>)
      tpu.yield
    }) : () -> ()
    %mul3A_41 = arith.constant 640 : i32
    %mul3A_42 = arith.muli %arg1, %mul3A_41 : i32
    %add3A_43 = arith.constant 320 : i32
    %add3A_44 = arith.addi %mul3A_42, %add3A_43 : i32
    "tpu.region"() ({
      %run_scoped3A = tpu.sem_alloc : memref<!tpu.dma_semaphore, #tpu.memory_space<semaphore_mem>>
      %dma_start3A = arith.constant 0 : i32
      %dma_start3A_87 = tpu.memref_slice %arg18[%add3A_44, %dma_start3A] : memref<10240x128xf32, #tpu.memory_space<vmem_shared>> -> memref<40x128xf32, #tpu.memory_space<vmem_shared>>
      %dma_start3A_88 = arith.constant 0 : i32
      %dma_start3A_89 = tpu.memref_slice %arg18[%add3A_44, %dma_start3A_88] : memref<10240x128xf32, #tpu.memory_space<vmem_shared>> -> memref<40x128xf32, #tpu.memory_space<vmem_shared>>
      tpu.enqueue_dma source(%arg17 : memref<40x128xf32, #tpu.memory_space<vmem>>) target(%dma_start3A_89 : memref<40x128xf32, #tpu.memory_space<vmem_shared>>) target_semaphore(%run_scoped3A : memref<!tpu.dma_semaphore, #tpu.memory_space<semaphore_mem>>)
      %dma_wait3A = arith.constant 0 : i32
      %dma_wait3A_90 = tpu.memref_slice %arg18[%add3A_44, %dma_wait3A] : memref<10240x128xf32, #tpu.memory_space<vmem_shared>> -> memref<40x128xf32, #tpu.memory_space<vmem_shared>>
      %dma_wait3A_91 = arith.constant 0 : i32
      %dma_wait3A_92 = tpu.memref_slice %arg18[%add3A_44, %dma_wait3A_91] : memref<10240x128xf32, #tpu.memory_space<vmem_shared>> -> memref<40x128xf32, #tpu.memory_space<vmem_shared>>
      tpu.wait_dma2 semaphore(%run_scoped3A : memref<!tpu.dma_semaphore, #tpu.memory_space<semaphore_mem>>) src(%arg17 : memref<40x128xf32, #tpu.memory_space<vmem>>) dst(%dma_wait3A_92 : memref<40x128xf32, #tpu.memory_space<vmem_shared>>)
      tpu.yield
    }) : () -> ()
    %mul3A_45 = arith.constant 640 : i32
    %mul3A_46 = arith.muli %arg1, %mul3A_45 : i32
    %add3A_47 = arith.constant 360 : i32
    %add3A_48 = arith.addi %mul3A_46, %add3A_47 : i32
    "tpu.region"() ({
      %run_scoped3A = tpu.sem_alloc : memref<!tpu.dma_semaphore, #tpu.memory_space<semaphore_mem>>
      %dma_start3A = arith.constant 0 : i32
      %dma_start3A_87 = tpu.memref_slice %arg18[%add3A_48, %dma_start3A] : memref<10240x128xf32, #tpu.memory_space<vmem_shared>> -> memref<40x128xf32, #tpu.memory_space<vmem_shared>>
      %dma_start3A_88 = arith.constant 0 : i32
      %dma_start3A_89 = tpu.memref_slice %arg18[%add3A_48, %dma_start3A_88] : memref<10240x128xf32, #tpu.memory_space<vmem_shared>> -> memref<40x128xf32, #tpu.memory_space<vmem_shared>>
      tpu.enqueue_dma source(%arg17 : memref<40x128xf32, #tpu.memory_space<vmem>>) target(%dma_start3A_89 : memref<40x128xf32, #tpu.memory_space<vmem_shared>>) target_semaphore(%run_scoped3A : memref<!tpu.dma_semaphore, #tpu.memory_space<semaphore_mem>>)
      %dma_wait3A = arith.constant 0 : i32
      %dma_wait3A_90 = tpu.memref_slice %arg18[%add3A_48, %dma_wait3A] : memref<10240x128xf32, #tpu.memory_space<vmem_shared>> -> memref<40x128xf32, #tpu.memory_space<vmem_shared>>
      %dma_wait3A_91 = arith.constant 0 : i32
      %dma_wait3A_92 = tpu.memref_slice %arg18[%add3A_48, %dma_wait3A_91] : memref<10240x128xf32, #tpu.memory_space<vmem_shared>> -> memref<40x128xf32, #tpu.memory_space<vmem_shared>>
      tpu.wait_dma2 semaphore(%run_scoped3A : memref<!tpu.dma_semaphore, #tpu.memory_space<semaphore_mem>>) src(%arg17 : memref<40x128xf32, #tpu.memory_space<vmem>>) dst(%dma_wait3A_92 : memref<40x128xf32, #tpu.memory_space<vmem_shared>>)
      tpu.yield
    }) : () -> ()
    %mul3A_49 = arith.constant 640 : i32
    %mul3A_50 = arith.muli %arg1, %mul3A_49 : i32
    %add3A_51 = arith.constant 400 : i32
    %add3A_52 = arith.addi %mul3A_50, %add3A_51 : i32
    "tpu.region"() ({
      %run_scoped3A = tpu.sem_alloc : memref<!tpu.dma_semaphore, #tpu.memory_space<semaphore_mem>>
      %dma_start3A = arith.constant 0 : i32
      %dma_start3A_87 = tpu.memref_slice %arg18[%add3A_52, %dma_start3A] : memref<10240x128xf32, #tpu.memory_space<vmem_shared>> -> memref<40x128xf32, #tpu.memory_space<vmem_shared>>
      %dma_start3A_88 = arith.constant 0 : i32
      %dma_start3A_89 = tpu.memref_slice %arg18[%add3A_52, %dma_start3A_88] : memref<10240x128xf32, #tpu.memory_space<vmem_shared>> -> memref<40x128xf32, #tpu.memory_space<vmem_shared>>
      tpu.enqueue_dma source(%arg17 : memref<40x128xf32, #tpu.memory_space<vmem>>) target(%dma_start3A_89 : memref<40x128xf32, #tpu.memory_space<vmem_shared>>) target_semaphore(%run_scoped3A : memref<!tpu.dma_semaphore, #tpu.memory_space<semaphore_mem>>)
      %dma_wait3A = arith.constant 0 : i32
      %dma_wait3A_90 = tpu.memref_slice %arg18[%add3A_52, %dma_wait3A] : memref<10240x128xf32, #tpu.memory_space<vmem_shared>> -> memref<40x128xf32, #tpu.memory_space<vmem_shared>>
      %dma_wait3A_91 = arith.constant 0 : i32
      %dma_wait3A_92 = tpu.memref_slice %arg18[%add3A_52, %dma_wait3A_91] : memref<10240x128xf32, #tpu.memory_space<vmem_shared>> -> memref<40x128xf32, #tpu.memory_space<vmem_shared>>
      tpu.wait_dma2 semaphore(%run_scoped3A : memref<!tpu.dma_semaphore, #tpu.memory_space<semaphore_mem>>) src(%arg17 : memref<40x128xf32, #tpu.memory_space<vmem>>) dst(%dma_wait3A_92 : memref<40x128xf32, #tpu.memory_space<vmem_shared>>)
      tpu.yield
    }) : () -> ()
    %mul3A_53 = arith.constant 640 : i32
    %mul3A_54 = arith.muli %arg1, %mul3A_53 : i32
    %add3A_55 = arith.constant 440 : i32
    %add3A_56 = arith.addi %mul3A_54, %add3A_55 : i32
    "tpu.region"() ({
      %run_scoped3A = tpu.sem_alloc : memref<!tpu.dma_semaphore, #tpu.memory_space<semaphore_mem>>
      %dma_start3A = arith.constant 0 : i32
      %dma_start3A_87 = tpu.memref_slice %arg18[%add3A_56, %dma_start3A] : memref<10240x128xf32, #tpu.memory_space<vmem_shared>> -> memref<40x128xf32, #tpu.memory_space<vmem_shared>>
      %dma_start3A_88 = arith.constant 0 : i32
      %dma_start3A_89 = tpu.memref_slice %arg18[%add3A_56, %dma_start3A_88] : memref<10240x128xf32, #tpu.memory_space<vmem_shared>> -> memref<40x128xf32, #tpu.memory_space<vmem_shared>>
      tpu.enqueue_dma source(%arg17 : memref<40x128xf32, #tpu.memory_space<vmem>>) target(%dma_start3A_89 : memref<40x128xf32, #tpu.memory_space<vmem_shared>>) target_semaphore(%run_scoped3A : memref<!tpu.dma_semaphore, #tpu.memory_space<semaphore_mem>>)
      %dma_wait3A = arith.constant 0 : i32
      %dma_wait3A_90 = tpu.memref_slice %arg18[%add3A_56, %dma_wait3A] : memref<10240x128xf32, #tpu.memory_space<vmem_shared>> -> memref<40x128xf32, #tpu.memory_space<vmem_shared>>
      %dma_wait3A_91 = arith.constant 0 : i32
      %dma_wait3A_92 = tpu.memref_slice %arg18[%add3A_56, %dma_wait3A_91] : memref<10240x128xf32, #tpu.memory_space<vmem_shared>> -> memref<40x128xf32, #tpu.memory_space<vmem_shared>>
      tpu.wait_dma2 semaphore(%run_scoped3A : memref<!tpu.dma_semaphore, #tpu.memory_space<semaphore_mem>>) src(%arg17 : memref<40x128xf32, #tpu.memory_space<vmem>>) dst(%dma_wait3A_92 : memref<40x128xf32, #tpu.memory_space<vmem_shared>>)
      tpu.yield
    }) : () -> ()
    %mul3A_57 = arith.constant 640 : i32
    %mul3A_58 = arith.muli %arg1, %mul3A_57 : i32
    %add3A_59 = arith.constant 480 : i32
    %add3A_60 = arith.addi %mul3A_58, %add3A_59 : i32
    "tpu.region"() ({
      %run_scoped3A = tpu.sem_alloc : memref<!tpu.dma_semaphore, #tpu.memory_space<semaphore_mem>>
      %dma_start3A = arith.constant 0 : i32
      %dma_start3A_87 = tpu.memref_slice %arg18[%add3A_60, %dma_start3A] : memref<10240x128xf32, #tpu.memory_space<vmem_shared>> -> memref<40x128xf32, #tpu.memory_space<vmem_shared>>
      %dma_start3A_88 = arith.constant 0 : i32
      %dma_start3A_89 = tpu.memref_slice %arg18[%add3A_60, %dma_start3A_88] : memref<10240x128xf32, #tpu.memory_space<vmem_shared>> -> memref<40x128xf32, #tpu.memory_space<vmem_shared>>
      tpu.enqueue_dma source(%arg17 : memref<40x128xf32, #tpu.memory_space<vmem>>) target(%dma_start3A_89 : memref<40x128xf32, #tpu.memory_space<vmem_shared>>) target_semaphore(%run_scoped3A : memref<!tpu.dma_semaphore, #tpu.memory_space<semaphore_mem>>)
      %dma_wait3A = arith.constant 0 : i32
      %dma_wait3A_90 = tpu.memref_slice %arg18[%add3A_60, %dma_wait3A] : memref<10240x128xf32, #tpu.memory_space<vmem_shared>> -> memref<40x128xf32, #tpu.memory_space<vmem_shared>>
      %dma_wait3A_91 = arith.constant 0 : i32
      %dma_wait3A_92 = tpu.memref_slice %arg18[%add3A_60, %dma_wait3A_91] : memref<10240x128xf32, #tpu.memory_space<vmem_shared>> -> memref<40x128xf32, #tpu.memory_space<vmem_shared>>
      tpu.wait_dma2 semaphore(%run_scoped3A : memref<!tpu.dma_semaphore, #tpu.memory_space<semaphore_mem>>) src(%arg17 : memref<40x128xf32, #tpu.memory_space<vmem>>) dst(%dma_wait3A_92 : memref<40x128xf32, #tpu.memory_space<vmem_shared>>)
      tpu.yield
    }) : () -> ()
    %mul3A_61 = arith.constant 640 : i32
    %mul3A_62 = arith.muli %arg1, %mul3A_61 : i32
    %add3A_63 = arith.constant 520 : i32
    %add3A_64 = arith.addi %mul3A_62, %add3A_63 : i32
    "tpu.region"() ({
      %run_scoped3A = tpu.sem_alloc : memref<!tpu.dma_semaphore, #tpu.memory_space<semaphore_mem>>
      %dma_start3A = arith.constant 0 : i32
      %dma_start3A_87 = tpu.memref_slice %arg18[%add3A_64, %dma_start3A] : memref<10240x128xf32, #tpu.memory_space<vmem_shared>> -> memref<40x128xf32, #tpu.memory_space<vmem_shared>>
      %dma_start3A_88 = arith.constant 0 : i32
      %dma_start3A_89 = tpu.memref_slice %arg18[%add3A_64, %dma_start3A_88] : memref<10240x128xf32, #tpu.memory_space<vmem_shared>> -> memref<40x128xf32, #tpu.memory_space<vmem_shared>>
      tpu.enqueue_dma source(%arg17 : memref<40x128xf32, #tpu.memory_space<vmem>>) target(%dma_start3A_89 : memref<40x128xf32, #tpu.memory_space<vmem_shared>>) target_semaphore(%run_scoped3A : memref<!tpu.dma_semaphore, #tpu.memory_space<semaphore_mem>>)
      %dma_wait3A = arith.constant 0 : i32
      %dma_wait3A_90 = tpu.memref_slice %arg18[%add3A_64, %dma_wait3A] : memref<10240x128xf32, #tpu.memory_space<vmem_shared>> -> memref<40x128xf32, #tpu.memory_space<vmem_shared>>
      %dma_wait3A_91 = arith.constant 0 : i32
      %dma_wait3A_92 = tpu.memref_slice %arg18[%add3A_64, %dma_wait3A_91] : memref<10240x128xf32, #tpu.memory_space<vmem_shared>> -> memref<40x128xf32, #tpu.memory_space<vmem_shared>>
      tpu.wait_dma2 semaphore(%run_scoped3A : memref<!tpu.dma_semaphore, #tpu.memory_space<semaphore_mem>>) src(%arg17 : memref<40x128xf32, #tpu.memory_space<vmem>>) dst(%dma_wait3A_92 : memref<40x128xf32, #tpu.memory_space<vmem_shared>>)
      tpu.yield
    }) : () -> ()
    %mul3A_65 = arith.constant 640 : i32
    %mul3A_66 = arith.muli %arg1, %mul3A_65 : i32
    %add3A_67 = arith.constant 560 : i32
    %add3A_68 = arith.addi %mul3A_66, %add3A_67 : i32
    "tpu.region"() ({
      %run_scoped3A = tpu.sem_alloc : memref<!tpu.dma_semaphore, #tpu.memory_space<semaphore_mem>>
      %dma_start3A = arith.constant 0 : i32
      %dma_start3A_87 = tpu.memref_slice %arg18[%add3A_68, %dma_start3A] : memref<10240x128xf32, #tpu.memory_space<vmem_shared>> -> memref<40x128xf32, #tpu.memory_space<vmem_shared>>
      %dma_start3A_88 = arith.constant 0 : i32
      %dma_start3A_89 = tpu.memref_slice %arg18[%add3A_68, %dma_start3A_88] : memref<10240x128xf32, #tpu.memory_space<vmem_shared>> -> memref<40x128xf32, #tpu.memory_space<vmem_shared>>
      tpu.enqueue_dma source(%arg17 : memref<40x128xf32, #tpu.memory_space<vmem>>) target(%dma_start3A_89 : memref<40x128xf32, #tpu.memory_space<vmem_shared>>) target_semaphore(%run_scoped3A : memref<!tpu.dma_semaphore, #tpu.memory_space<semaphore_mem>>)
      %dma_wait3A = arith.constant 0 : i32
      %dma_wait3A_90 = tpu.memref_slice %arg18[%add3A_68, %dma_wait3A] : memref<10240x128xf32, #tpu.memory_space<vmem_shared>> -> memref<40x128xf32, #tpu.memory_space<vmem_shared>>
      %dma_wait3A_91 = arith.constant 0 : i32
      %dma_wait3A_92 = tpu.memref_slice %arg18[%add3A_68, %dma_wait3A_91] : memref<10240x128xf32, #tpu.memory_space<vmem_shared>> -> memref<40x128xf32, #tpu.memory_space<vmem_shared>>
      tpu.wait_dma2 semaphore(%run_scoped3A : memref<!tpu.dma_semaphore, #tpu.memory_space<semaphore_mem>>) src(%arg17 : memref<40x128xf32, #tpu.memory_space<vmem>>) dst(%dma_wait3A_92 : memref<40x128xf32, #tpu.memory_space<vmem_shared>>)
      tpu.yield
    }) : () -> ()
    %mul3A_69 = arith.constant 640 : i32
    %mul3A_70 = arith.muli %arg1, %mul3A_69 : i32
    %add3A_71 = arith.constant 600 : i32
    %add3A_72 = arith.addi %mul3A_70, %add3A_71 : i32
    "tpu.region"() ({
      %run_scoped3A = tpu.sem_alloc : memref<!tpu.dma_semaphore, #tpu.memory_space<semaphore_mem>>
      %dma_start3A = arith.constant 0 : i32
      %dma_start3A_87 = tpu.memref_slice %arg18[%add3A_72, %dma_start3A] : memref<10240x128xf32, #tpu.memory_space<vmem_shared>> -> memref<40x128xf32, #tpu.memory_space<vmem_shared>>
      %dma_start3A_88 = arith.constant 0 : i32
      %dma_start3A_89 = tpu.memref_slice %arg18[%add3A_72, %dma_start3A_88] : memref<10240x128xf32, #tpu.memory_space<vmem_shared>> -> memref<40x128xf32, #tpu.memory_space<vmem_shared>>
      tpu.enqueue_dma source(%arg17 : memref<40x128xf32, #tpu.memory_space<vmem>>) target(%dma_start3A_89 : memref<40x128xf32, #tpu.memory_space<vmem_shared>>) target_semaphore(%run_scoped3A : memref<!tpu.dma_semaphore, #tpu.memory_space<semaphore_mem>>)
      %dma_wait3A = arith.constant 0 : i32
      %dma_wait3A_90 = tpu.memref_slice %arg18[%add3A_72, %dma_wait3A] : memref<10240x128xf32, #tpu.memory_space<vmem_shared>> -> memref<40x128xf32, #tpu.memory_space<vmem_shared>>
      %dma_wait3A_91 = arith.constant 0 : i32
      %dma_wait3A_92 = tpu.memref_slice %arg18[%add3A_72, %dma_wait3A_91] : memref<10240x128xf32, #tpu.memory_space<vmem_shared>> -> memref<40x128xf32, #tpu.memory_space<vmem_shared>>
      tpu.wait_dma2 semaphore(%run_scoped3A : memref<!tpu.dma_semaphore, #tpu.memory_space<semaphore_mem>>) src(%arg17 : memref<40x128xf32, #tpu.memory_space<vmem>>) dst(%dma_wait3A_92 : memref<40x128xf32, #tpu.memory_space<vmem_shared>>)
      tpu.yield
    }) : () -> ()
    %barrier3A = arith.constant 0 : index
    tpu.barrier barrier_id(%barrier3A)
    %scan3A_73 = arith.constant 0 : i32
    %scan3A_74 = arith.constant 0 : i32
    %scan3A_75 = arith.constant 25 : i32
    %scan3A_76 = arith.addi %scan3A_74, %scan3A_75 : i32
    %scan3A_77 = arith.constant 1 : i32
    %scan3A_78 = scf.for %scan3A_87 = %scan3A_74 to %scan3A_76 step %scan3A_77 iter_args(%scan3A_88 = %scan3A_73) -> (i32)  : i32 {
      %mul3A_89 = arith.constant 400 : i32
      %mul3A_90 = arith.muli %scan3A_87, %mul3A_89 : i32
      %add3A_91 = arith.addi %mul3A_2, %mul3A_90 : i32
      %dma_start3A = tpu.memref_slice %arg5[%add3A_91] : memref<320000xi32, #tpu.memory_space<hbm>> -> memref<400xi32, #tpu.memory_space<hbm>>
      %dma_start3A_92 = tpu.memref_slice %arg5[%add3A_91] : memref<320000xi32, #tpu.memory_space<hbm>> -> memref<400xi32, #tpu.memory_space<hbm>>
      tpu.enqueue_dma source(%dma_start3A_92 : memref<400xi32, #tpu.memory_space<hbm>>) target(%arg9 : memref<400xi32, #tpu.memory_space<vmem>>) target_semaphore(%arg19 : memref<!tpu.dma_semaphore, #tpu.memory_space<semaphore_mem>>)
      %dma_start3A_93 = tpu.memref_slice %arg6[%add3A_91] : memref<320000xi32, #tpu.memory_space<hbm>> -> memref<400xi32, #tpu.memory_space<hbm>>
      %dma_start3A_94 = tpu.memref_slice %arg6[%add3A_91] : memref<320000xi32, #tpu.memory_space<hbm>> -> memref<400xi32, #tpu.memory_space<hbm>>
      tpu.enqueue_dma source(%dma_start3A_94 : memref<400xi32, #tpu.memory_space<hbm>>) target(%arg10 : memref<400xi32, #tpu.memory_space<vmem>>) target_semaphore(%arg19 : memref<!tpu.dma_semaphore, #tpu.memory_space<semaphore_mem>>)
      %dma_start3A_95 = tpu.memref_slice %arg7[%add3A_91] : memref<320000xf32, #tpu.memory_space<hbm>> -> memref<400xf32, #tpu.memory_space<hbm>>
      %dma_start3A_96 = tpu.memref_slice %arg7[%add3A_91] : memref<320000xf32, #tpu.memory_space<hbm>> -> memref<400xf32, #tpu.memory_space<hbm>>
      tpu.enqueue_dma source(%dma_start3A_96 : memref<400xf32, #tpu.memory_space<hbm>>) target(%arg11 : memref<400xf32, #tpu.memory_space<vmem>>) target_semaphore(%arg19 : memref<!tpu.dma_semaphore, #tpu.memory_space<semaphore_mem>>)
      %dma_wait3A = tpu.memref_slice %arg5[%add3A_91] : memref<320000xi32, #tpu.memory_space<hbm>> -> memref<400xi32, #tpu.memory_space<hbm>>
      %dma_wait3A_97 = tpu.memref_slice %arg5[%add3A_91] : memref<320000xi32, #tpu.memory_space<hbm>> -> memref<400xi32, #tpu.memory_space<hbm>>
      tpu.wait_dma2 semaphore(%arg19 : memref<!tpu.dma_semaphore, #tpu.memory_space<semaphore_mem>>) src(%dma_wait3A_97 : memref<400xi32, #tpu.memory_space<hbm>>) dst(%arg9 : memref<400xi32, #tpu.memory_space<vmem>>)
      %dma_wait3A_98 = tpu.memref_slice %arg6[%add3A_91] : memref<320000xi32, #tpu.memory_space<hbm>> -> memref<400xi32, #tpu.memory_space<hbm>>
      %dma_wait3A_99 = tpu.memref_slice %arg6[%add3A_91] : memref<320000xi32, #tpu.memory_space<hbm>> -> memref<400xi32, #tpu.memory_space<hbm>>
      tpu.wait_dma2 semaphore(%arg19 : memref<!tpu.dma_semaphore, #tpu.memory_space<semaphore_mem>>) src(%dma_wait3A_99 : memref<400xi32, #tpu.memory_space<hbm>>) dst(%arg10 : memref<400xi32, #tpu.memory_space<vmem>>)
      %dma_wait3A_100 = tpu.memref_slice %arg7[%add3A_91] : memref<320000xf32, #tpu.memory_space<hbm>> -> memref<400xf32, #tpu.memory_space<hbm>>
      %dma_wait3A_101 = tpu.memref_slice %arg7[%add3A_91] : memref<320000xf32, #tpu.memory_space<hbm>> -> memref<400xf32, #tpu.memory_space<hbm>>
      tpu.wait_dma2 semaphore(%arg19 : memref<!tpu.dma_semaphore, #tpu.memory_space<semaphore_mem>>) src(%dma_wait3A_101 : memref<400xf32, #tpu.memory_space<hbm>>) dst(%arg11 : memref<400xf32, #tpu.memory_space<vmem>>)
      %scan3A_102 = arith.constant 0 : i32
      %scan3A_103 = arith.constant 0 : i32
      %scan3A_104 = arith.constant 25 : i32
      %scan3A_105 = arith.addi %scan3A_103, %scan3A_104 : i32
      %scan3A_106 = arith.constant 1 : i32
      %scan3A_107 = scf.for %scan3A_117 = %scan3A_103 to %scan3A_105 step %scan3A_106 iter_args(%scan3A_118 = %scan3A_102) -> (i32)  : i32 {
        %mul3A_119 = arith.constant 16 : i32
        %mul3A_120 = arith.muli %mul3A_119, %scan3A_117 : i32
        %get3A = arith.index_cast %mul3A_120 : i32 to index
        %get3A_121 = tpu.vector_load %arg11[%get3A] {strides = array<i32>} : memref<400xf32, #tpu.memory_space<vmem>>, vector<16xf32>,
        %get3A_122 = vector.shape_cast %get3A_121 : vector<16xf32> to vector<16xf32>
        %mul3A_123 = arith.mulf %get3A_122, %get3A_122 : vector<16xf32>
        %mul3A_124 = arith.constant -0.055555556 : f32
        %mul3A_125 = vector.broadcast %mul3A_124 : f32 to vector<16xf32>
        %mul3A_126 = arith.mulf %mul3A_123, %mul3A_125 : vector<16xf32>
        %exp3A = math.exp %mul3A_126 : vector<16xf32>
        %mul3A_127 = arith.constant 16 : i32
        %mul3A_128 = arith.muli %mul3A_127, %scan3A_117 : i32
        %swap3A = arith.index_cast %mul3A_128 : i32 to index
        %swap3A_129 = tpu.vector_load %arg11[%swap3A] {strides = array<i32>} : memref<400xf32, #tpu.memory_space<vmem>>, vector<16xf32>,
        %swap3A_130 = vector.shape_cast %swap3A_129 : vector<16xf32> to vector<16xf32>
        %swap3A_131 = vector.shape_cast %exp3A : vector<16xf32> to vector<16xf32>
        tpu.vector_store %arg11[%swap3A], %swap3A_131 {strides = array<i32>} : memref<400xf32, #tpu.memory_space<vmem>>, vector<16xf32>,
        %scan3A_132 = arith.constant 0 : i32
        scf.yield %scan3A_132 : i32
      }
      %scan3A_108 = arith.constant 25 : i32
      %scan3A_109 = arith.constant 0 : i32
      %scan3A_110 = arith.constant 0 : i32
      %scan3A_111 = arith.constant 10 : i32
      %scan3A_112 = arith.addi %scan3A_110, %scan3A_111 : i32
      %scan3A_113 = arith.constant 1 : i32
      %scan3A_114 = scf.for %scan3A_117 = %scan3A_110 to %scan3A_112 step %scan3A_113 iter_args(%scan3A_118 = %scan3A_109) -> (i32)  : i32 {
        %mul3A_119 = arith.constant 40 : i32
        %mul3A_120 = arith.muli %scan3A_117, %mul3A_119 : i32
        %add3A_121 = arith.constant 0 : i32
        %add3A_122 = arith.addi %mul3A_120, %add3A_121 : i32
        %get3A = arith.index_cast %add3A_122 : i32 to index
        %get3A_123 = tpu.vector_load %arg9[%get3A] {strides = array<i32>} : memref<400xi32, #tpu.memory_space<vmem>>, vector<8xi32>,
        %get3A_124 = vector.shape_cast %get3A_123 : vector<8xi32> to vector<8xi32>
        %swap3A = arith.constant 0 : index
        %swap3A_125 = tpu.vector_load %arg12[%swap3A] {strides = array<i32>} : memref<40xi32, #tpu.memory_space<vmem>>, vector<8xi32>,
        %swap3A_126 = vector.shape_cast %swap3A_125 : vector<8xi32> to vector<8xi32>
        %swap3A_127 = vector.shape_cast %get3A_124 : vector<8xi32> to vector<8xi32>
        tpu.vector_store %arg12[%swap3A], %swap3A_127 {strides = array<i32>} : memref<40xi32, #tpu.memory_space<vmem>>, vector<8xi32>,
        %add3A_128 = arith.constant 0 : i32
        %add3A_129 = arith.addi %mul3A_120, %add3A_128 : i32
        %get3A_130 = arith.index_cast %add3A_129 : i32 to index
        %get3A_131 = tpu.vector_load %arg10[%get3A_130] {strides = array<i32>} : memref<400xi32, #tpu.memory_space<vmem>>, vector<8xi32>,
        %get3A_132 = vector.shape_cast %get3A_131 : vector<8xi32> to vector<8xi32>
        %swap3A_133 = arith.constant 0 : index
        %swap3A_134 = tpu.vector_load %arg13[%swap3A_133] {strides = array<i32>} : memref<40xi32, #tpu.memory_space<vmem>>, vector<8xi32>,
        %swap3A_135 = vector.shape_cast %swap3A_134 : vector<8xi32> to vector<8xi32>
        %swap3A_136 = vector.shape_cast %get3A_132 : vector<8xi32> to vector<8xi32>
        tpu.vector_store %arg13[%swap3A_133], %swap3A_136 {strides = array<i32>} : memref<40xi32, #tpu.memory_space<vmem>>, vector<8xi32>,
        %add3A_137 = arith.constant 8 : i32
        %add3A_138 = arith.addi %mul3A_120, %add3A_137 : i32
        %get3A_139 = arith.index_cast %add3A_138 : i32 to index
        %get3A_140 = tpu.vector_load %arg9[%get3A_139] {strides = array<i32>} : memref<400xi32, #tpu.memory_space<vmem>>, vector<8xi32>,
        %get3A_141 = vector.shape_cast %get3A_140 : vector<8xi32> to vector<8xi32>
        %swap3A_142 = arith.constant 8 : index
        %swap3A_143 = tpu.vector_load %arg12[%swap3A_142] {strides = array<i32>} : memref<40xi32, #tpu.memory_space<vmem>>, vector<8xi32>,
        %swap3A_144 = vector.shape_cast %swap3A_143 : vector<8xi32> to vector<8xi32>
        %swap3A_145 = vector.shape_cast %get3A_141 : vector<8xi32> to vector<8xi32>
        tpu.vector_store %arg12[%swap3A_142], %swap3A_145 {strides = array<i32>} : memref<40xi32, #tpu.memory_space<vmem>>, vector<8xi32>,
        %add3A_146 = arith.constant 8 : i32
        %add3A_147 = arith.addi %mul3A_120, %add3A_146 : i32
        %get3A_148 = arith.index_cast %add3A_147 : i32 to index
        %get3A_149 = tpu.vector_load %arg10[%get3A_148] {strides = array<i32>} : memref<400xi32, #tpu.memory_space<vmem>>, vector<8xi32>,
        %get3A_150 = vector.shape_cast %get3A_149 : vector<8xi32> to vector<8xi32>
        %swap3A_151 = arith.constant 8 : index
        %swap3A_152 = tpu.vector_load %arg13[%swap3A_151] {strides = array<i32>} : memref<40xi32, #tpu.memory_space<vmem>>, vector<8xi32>,
        %swap3A_153 = vector.shape_cast %swap3A_152 : vector<8xi32> to vector<8xi32>
        %swap3A_154 = vector.shape_cast %get3A_150 : vector<8xi32> to vector<8xi32>
        tpu.vector_store %arg13[%swap3A_151], %swap3A_154 {strides = array<i32>} : memref<40xi32, #tpu.memory_space<vmem>>, vector<8xi32>,
        %add3A_155 = arith.constant 16 : i32
        %add3A_156 = arith.addi %mul3A_120, %add3A_155 : i32
        %get3A_157 = arith.index_cast %add3A_156 : i32 to index
        %get3A_158 = tpu.vector_load %arg9[%get3A_157] {strides = array<i32>} : memref<400xi32, #tpu.memory_space<vmem>>, vector<8xi32>,
        %get3A_159 = vector.shape_cast %get3A_158 : vector<8xi32> to vector<8xi32>
        %swap3A_160 = arith.constant 16 : index
        %swap3A_161 = tpu.vector_load %arg12[%swap3A_160] {strides = array<i32>} : memref<40xi32, #tpu.memory_space<vmem>>, vector<8xi32>,
        %swap3A_162 = vector.shape_cast %swap3A_161 : vector<8xi32> to vector<8xi32>
        %swap3A_163 = vector.shape_cast %get3A_159 : vector<8xi32> to vector<8xi32>
        tpu.vector_store %arg12[%swap3A_160], %swap3A_163 {strides = array<i32>} : memref<40xi32, #tpu.memory_space<vmem>>, vector<8xi32>,
        %add3A_164 = arith.constant 16 : i32
        %add3A_165 = arith.addi %mul3A_120, %add3A_164 : i32
        %get3A_166 = arith.index_cast %add3A_165 : i32 to index
        %get3A_167 = tpu.vector_load %arg10[%get3A_166] {strides = array<i32>} : memref<400xi32, #tpu.memory_space<vmem>>, vector<8xi32>,
        %get3A_168 = vector.shape_cast %get3A_167 : vector<8xi32> to vector<8xi32>
        %swap3A_169 = arith.constant 16 : index
        %swap3A_170 = tpu.vector_load %arg13[%swap3A_169] {strides = array<i32>} : memref<40xi32, #tpu.memory_space<vmem>>, vector<8xi32>,
        %swap3A_171 = vector.shape_cast %swap3A_170 : vector<8xi32> to vector<8xi32>
        %swap3A_172 = vector.shape_cast %get3A_168 : vector<8xi32> to vector<8xi32>
        tpu.vector_store %arg13[%swap3A_169], %swap3A_172 {strides = array<i32>} : memref<40xi32, #tpu.memory_space<vmem>>, vector<8xi32>,
        %add3A_173 = arith.constant 24 : i32
        %add3A_174 = arith.addi %mul3A_120, %add3A_173 : i32
        %get3A_175 = arith.index_cast %add3A_174 : i32 to index
        %get3A_176 = tpu.vector_load %arg9[%get3A_175] {strides = array<i32>} : memref<400xi32, #tpu.memory_space<vmem>>, vector<8xi32>,
        %get3A_177 = vector.shape_cast %get3A_176 : vector<8xi32> to vector<8xi32>
        %swap3A_178 = arith.constant 24 : index
        %swap3A_179 = tpu.vector_load %arg12[%swap3A_178] {strides = array<i32>} : memref<40xi32, #tpu.memory_space<vmem>>, vector<8xi32>,
        %swap3A_180 = vector.shape_cast %swap3A_179 : vector<8xi32> to vector<8xi32>
        %swap3A_181 = vector.shape_cast %get3A_177 : vector<8xi32> to vector<8xi32>
        tpu.vector_store %arg12[%swap3A_178], %swap3A_181 {strides = array<i32>} : memref<40xi32, #tpu.memory_space<vmem>>, vector<8xi32>,
        %add3A_182 = arith.constant 24 : i32
        %add3A_183 = arith.addi %mul3A_120, %add3A_182 : i32
        %get3A_184 = arith.index_cast %add3A_183 : i32 to index
        %get3A_185 = tpu.vector_load %arg10[%get3A_184] {strides = array<i32>} : memref<400xi32, #tpu.memory_space<vmem>>, vector<8xi32>,
        %get3A_186 = vector.shape_cast %get3A_185 : vector<8xi32> to vector<8xi32>
        %swap3A_187 = arith.constant 24 : index
        %swap3A_188 = tpu.vector_load %arg13[%swap3A_187] {strides = array<i32>} : memref<40xi32, #tpu.memory_space<vmem>>, vector<8xi32>,
        %swap3A_189 = vector.shape_cast %swap3A_188 : vector<8xi32> to vector<8xi32>
        %swap3A_190 = vector.shape_cast %get3A_186 : vector<8xi32> to vector<8xi32>
        tpu.vector_store %arg13[%swap3A_187], %swap3A_190 {strides = array<i32>} : memref<40xi32, #tpu.memory_space<vmem>>, vector<8xi32>,
        %add3A_191 = arith.constant 32 : i32
        %add3A_192 = arith.addi %mul3A_120, %add3A_191 : i32
        %get3A_193 = arith.index_cast %add3A_192 : i32 to index
        %get3A_194 = tpu.vector_load %arg9[%get3A_193] {strides = array<i32>} : memref<400xi32, #tpu.memory_space<vmem>>, vector<8xi32>,
        %get3A_195 = vector.shape_cast %get3A_194 : vector<8xi32> to vector<8xi32>
        %swap3A_196 = arith.constant 32 : index
        %swap3A_197 = tpu.vector_load %arg12[%swap3A_196] {strides = array<i32>} : memref<40xi32, #tpu.memory_space<vmem>>, vector<8xi32>,
        %swap3A_198 = vector.shape_cast %swap3A_197 : vector<8xi32> to vector<8xi32>
        %swap3A_199 = vector.shape_cast %get3A_195 : vector<8xi32> to vector<8xi32>
        tpu.vector_store %arg12[%swap3A_196], %swap3A_199 {strides = array<i32>} : memref<40xi32, #tpu.memory_space<vmem>>, vector<8xi32>,
        %add3A_200 = arith.constant 32 : i32
        %add3A_201 = arith.addi %mul3A_120, %add3A_200 : i32
        %get3A_202 = arith.index_cast %add3A_201 : i32 to index
        %get3A_203 = tpu.vector_load %arg10[%get3A_202] {strides = array<i32>} : memref<400xi32, #tpu.memory_space<vmem>>, vector<8xi32>,
        %get3A_204 = vector.shape_cast %get3A_203 : vector<8xi32> to vector<8xi32>
        %swap3A_205 = arith.constant 32 : index
        %swap3A_206 = tpu.vector_load %arg13[%swap3A_205] {strides = array<i32>} : memref<40xi32, #tpu.memory_space<vmem>>, vector<8xi32>,
        %swap3A_207 = vector.shape_cast %swap3A_206 : vector<8xi32> to vector<8xi32>
        %swap3A_208 = vector.shape_cast %get3A_204 : vector<8xi32> to vector<8xi32>
        tpu.vector_store %arg13[%swap3A_205], %swap3A_208 {strides = array<i32>} : memref<40xi32, #tpu.memory_space<vmem>>, vector<8xi32>,
        %dma_start3A_209 = arith.constant 0 : i32
        %dma_start3A_210 = arith.constant 0 : i32
        %dma_start3A_211 = tpu.memref_slice %arg2[%dma_start3A_209, %dma_start3A_210] : memref<10000x256xf32, #tpu.memory_space<hbm>> -> memref<10000x256xf32, #tpu.memory_space<hbm>>
        tpu.enqueue_indirect_dma source(%dma_start3A_211 : memref<10000x256xf32, #tpu.memory_space<hbm>>) target(%arg14 : memref<40x256xf32, #tpu.memory_space<vmem>>) offsets(%arg12 : memref<40xi32, #tpu.memory_space<vmem>>) semaphore(%arg19 : memref<!tpu.dma_semaphore, #tpu.memory_space<semaphore_mem>>)
        %dma_start3A_212 = arith.constant 0 : i32
        %dma_start3A_213 = arith.constant 0 : i32
        %dma_start3A_214 = tpu.memref_slice %arg3[%dma_start3A_212, %dma_start3A_213] : memref<10000x256xf32, #tpu.memory_space<hbm>> -> memref<10000x256xf32, #tpu.memory_space<hbm>>
        tpu.enqueue_indirect_dma source(%dma_start3A_214 : memref<10000x256xf32, #tpu.memory_space<hbm>>) target(%arg15 : memref<40x256xf32, #tpu.memory_space<vmem>>) offsets(%arg13 : memref<40xi32, #tpu.memory_space<vmem>>) semaphore(%arg19 : memref<!tpu.dma_semaphore, #tpu.memory_space<semaphore_mem>>)
        %add3A_215 = arith.addi %add3A_91, %mul3A_120 : i32
        %dma_start3A_216 = arith.constant 0 : i32
        %dma_start3A_217 = tpu.memref_slice %arg4[%add3A_215, %dma_start3A_216] : memref<320000x256xf32, #tpu.memory_space<hbm>> -> memref<40x256xf32, #tpu.memory_space<hbm>>
        %dma_start3A_218 = arith.constant 0 : i32
        %dma_start3A_219 = tpu.memref_slice %arg4[%add3A_215, %dma_start3A_218] : memref<320000x256xf32, #tpu.memory_space<hbm>> -> memref<40x256xf32, #tpu.memory_space<hbm>>
        tpu.enqueue_dma source(%dma_start3A_219 : memref<40x256xf32, #tpu.memory_space<hbm>>) target(%arg16 : memref<40x256xf32, #tpu.memory_space<vmem>>) target_semaphore(%arg19 : memref<!tpu.dma_semaphore, #tpu.memory_space<semaphore_mem>>)
        %dma_wait3A_220 = arith.constant 0 : i32
        %dma_wait3A_221 = arith.constant 0 : i32
        %dma_wait3A_222 = tpu.memref_slice %arg2[%dma_wait3A_220, %dma_wait3A_221] : memref<10000x256xf32, #tpu.memory_space<hbm>> -> memref<10000x256xf32, #tpu.memory_space<hbm>>
        tpu.wait_indirect_dma semaphore(%arg19 : memref<!tpu.dma_semaphore, #tpu.memory_space<semaphore_mem>>) src(%dma_wait3A_222 : memref<10000x256xf32, #tpu.memory_space<hbm>>) dst(%arg14 : memref<40x256xf32, #tpu.memory_space<vmem>>)
        %dma_wait3A_223 = arith.constant 0 : i32
        %dma_wait3A_224 = arith.constant 0 : i32
        %dma_wait3A_225 = tpu.memref_slice %arg3[%dma_wait3A_223, %dma_wait3A_224] : memref<10000x256xf32, #tpu.memory_space<hbm>> -> memref<10000x256xf32, #tpu.memory_space<hbm>>
        tpu.wait_indirect_dma semaphore(%arg19 : memref<!tpu.dma_semaphore, #tpu.memory_space<semaphore_mem>>) src(%dma_wait3A_225 : memref<10000x256xf32, #tpu.memory_space<hbm>>) dst(%arg15 : memref<40x256xf32, #tpu.memory_space<vmem>>)
        %dma_wait3A_226 = arith.constant 0 : i32
        %dma_wait3A_227 = tpu.memref_slice %arg4[%add3A_215, %dma_wait3A_226] : memref<320000x256xf32, #tpu.memory_space<hbm>> -> memref<40x256xf32, #tpu.memory_space<hbm>>
        %dma_wait3A_228 = arith.constant 0 : i32
        %dma_wait3A_229 = tpu.memref_slice %arg4[%add3A_215, %dma_wait3A_228] : memref<320000x256xf32, #tpu.memory_space<hbm>> -> memref<40x256xf32, #tpu.memory_space<hbm>>
        tpu.wait_dma2 semaphore(%arg19 : memref<!tpu.dma_semaphore, #tpu.memory_space<semaphore_mem>>) src(%dma_wait3A_229 : memref<40x256xf32, #tpu.memory_space<hbm>>) dst(%arg16 : memref<40x256xf32, #tpu.memory_space<vmem>>)
        %scan3A_230 = arith.constant 0 : i32
        %scan3A_231 = arith.constant 0 : i32
        %scan3A_232 = arith.constant 40 : i32
        %scan3A_233 = arith.addi %scan3A_231, %scan3A_232 : i32
        %scan3A_234 = arith.constant 1 : i32
        %scan3A_235 = scf.for %scan3A_238 = %scan3A_231 to %scan3A_233 step %scan3A_234 iter_args(%scan3A_239 = %scan3A_230) -> (i32)  : i32 {
          %add3A_240 = arith.addi %mul3A_120, %scan3A_238 : i32
          %jit3A = arith.constant 16 : i32
          %div3A = arith.divsi %add3A_240, %jit3A : i32
          %sign3A = arith.constant 0 : i32
          %sign3A_241 = arith.cmpi sgt, %add3A_240, %sign3A : i32
          %sign3A_242 = arith.extui %sign3A_241 : i1 to i32
          %sign3A_243 = arith.constant 0 : i32
          %sign3A_244 = arith.cmpi slt, %add3A_240, %sign3A_243 : i32
          %sign3A_245 = arith.extui %sign3A_244 : i1 to i32
          %sign3A_246 = arith.subi %sign3A_242, %sign3A_245 : i32
          %sign3A_247 = arith.constant 0 : i32
          %sign3A_248 = arith.cmpi sgt, %jit3A, %sign3A_247 : i32
          %sign3A_249 = arith.extui %sign3A_248 : i1 to i32
          %sign3A_250 = arith.constant 0 : i32
          %sign3A_251 = arith.cmpi slt, %jit3A, %sign3A_250 : i32
          %sign3A_252 = arith.extui %sign3A_251 : i1 to i32
          %sign3A_253 = arith.subi %sign3A_249, %sign3A_252 : i32
          %ne3A = arith.cmpi ne, %sign3A_246, %sign3A_253 : i32
          %rem3A = arith.remsi %add3A_240, %jit3A : i32
          %ne3A_254 = arith.constant 0 : i32
          %ne3A_255 = arith.cmpi ne, %rem3A, %ne3A_254 : i32
          %and3A = arith.andi %ne3A, %ne3A_255 : i1
          %sub3A = arith.constant 1 : i32
          %sub3A_256 = arith.subi %div3A, %sub3A : i32
          %select_n3A = arith.select %and3A, %sub3A_256, %div3A : i32
          %mul3A_257 = arith.constant 16 : i32
          %mul3A_258 = arith.muli %select_n3A, %mul3A_257 : i32
          %sub3A_259 = arith.subi %add3A_240, %mul3A_258 : i32
          %mul3A_260 = arith.constant 16 : i32
          %mul3A_261 = arith.muli %select_n3A, %mul3A_260 : i32
          %get3A_262 = arith.index_cast %mul3A_261 : i32 to index
          %get3A_263 = tpu.vector_load %arg11[%get3A_262] {strides = array<i32>} : memref<400xf32, #tpu.memory_space<vmem>>, vector<16xf32>,
          %get3A_264 = vector.shape_cast %get3A_263 : vector<16xf32> to vector<16xf32>
          %broadcast_in_dim3A = vector.broadcast %sub3A_259 : i32 to vector<16x1xi32>
          %gather3A = vector.shape_cast %broadcast_in_dim3A : vector<16x1xi32> to vector<16xi32>
          %gather3A_265 = tpu.dynamic_gather %get3A_264[%gather3A] in [0] : vector<16xf32>, vector<16xi32> -> vector<16xf32>
          %get3A_266 = arith.index_cast %scan3A_238 : i32 to index
          %get3A_267 = arith.constant 0 : index
          %get3A_268 = tpu.vector_load %arg14[%get3A_266, %get3A_267] {strides = array<i32>} : memref<40x256xf32, #tpu.memory_space<vmem>>, vector<1x16xf32>,
          %get3A_269 = vector.shape_cast %get3A_268 : vector<1x16xf32> to vector<16xf32>
          %get3A_270 = arith.index_cast %scan3A_238 : i32 to index
          %get3A_271 = arith.constant 0 : index
          %get3A_272 = tpu.vector_load %arg15[%get3A_270, %get3A_271] {strides = array<i32>} : memref<40x256xf32, #tpu.memory_space<vmem>>, vector<1x16xf32>,
          %get3A_273 = vector.shape_cast %get3A_272 : vector<1x16xf32> to vector<16xf32>
          %add3A_274 = arith.addf %get3A_269, %get3A_273 : vector<16xf32>
          %get3A_275 = arith.index_cast %scan3A_238 : i32 to index
          %get3A_276 = arith.constant 0 : index
          %get3A_277 = tpu.vector_load %arg16[%get3A_275, %get3A_276] {strides = array<i32>} : memref<40x256xf32, #tpu.memory_space<vmem>>, vector<1x16xf32>,
          %get3A_278 = vector.shape_cast %get3A_277 : vector<1x16xf32> to vector<16xf32>
          %add3A_279 = arith.addf %add3A_274, %get3A_278 : vector<16xf32>
          %get3A_280 = arith.index_cast %scan3A_238 : i32 to index
          %get3A_281 = arith.constant 128 : index
          %get3A_282 = tpu.vector_load %arg14[%get3A_280, %get3A_281] {strides = array<i32>} : memref<40x256xf32, #tpu.memory_space<vmem>>, vector<1x16xf32>,
          %get3A_283 = vector.shape_cast %get3A_282 : vector<1x16xf32> to vector<16xf32>
          %get3A_284 = arith.index_cast %scan3A_238 : i32 to index
          %get3A_285 = arith.constant 128 : index
          %get3A_286 = tpu.vector_load %arg15[%get3A_284, %get3A_285] {strides = array<i32>} : memref<40x256xf32, #tpu.memory_space<vmem>>, vector<1x16xf32>,
          %get3A_287 = vector.shape_cast %get3A_286 : vector<1x16xf32> to vector<16xf32>
          %add3A_288 = arith.addf %get3A_283, %get3A_287 : vector<16xf32>
          %get3A_289 = arith.index_cast %scan3A_238 : i32 to index
          %get3A_290 = arith.constant 128 : index
          %get3A_291 = tpu.vector_load %arg16[%get3A_289, %get3A_290] {strides = array<i32>} : memref<40x256xf32, #tpu.memory_space<vmem>>, vector<1x16xf32>,
          %get3A_292 = vector.shape_cast %get3A_291 : vector<1x16xf32> to vector<16xf32>
          %add3A_293 = arith.addf %add3A_288, %get3A_292 : vector<16xf32>
          %neg3A = arith.constant 0.000000e+00 : f32
          %neg3A_294 = vector.broadcast %neg3A : f32 to vector<16xf32>
          %neg3A_295 = arith.subf %neg3A_294, %add3A_279 : vector<16xf32>
          %exp3A = math.exp %neg3A_295 : vector<16xf32>
          %add3A_296 = arith.constant 1.000000e+00 : f32
          %add3A_297 = vector.broadcast %add3A_296 : f32 to vector<16xf32>
          %add3A_298 = arith.addf %add3A_297, %exp3A : vector<16xf32>
          %div3A_299 = arith.constant 1.000000e+00 : f32
          %div3A_300 = vector.broadcast %div3A_299 : f32 to vector<16xf32>
          %div3A_301 = arith.divf %div3A_300, %add3A_298 : vector<16xf32>
          %abs3A = math.absf %add3A_293 : vector<16xf32>
          %neg3A_302 = arith.constant 0.000000e+00 : f32
          %neg3A_303 = vector.broadcast %neg3A_302 : f32 to vector<16xf32>
          %neg3A_304 = arith.subf %neg3A_303, %abs3A : vector<16xf32>
          %exp3A_305 = math.exp %neg3A_304 : vector<16xf32>
          %add3A_306 = arith.constant 2.000000e+00 : f32
          %add3A_307 = vector.broadcast %add3A_306 : f32 to vector<16xf32>
          %add3A_308 = arith.addf %exp3A_305, %add3A_307 : vector<16xf32>
          %div3A_309 = arith.divf %exp3A_305, %add3A_308 : vector<16xf32>
          %mul3A_310 = arith.mulf %div3A_309, %div3A_309 : vector<16xf32>
          %mul3A_311 = arith.constant 0.222222224 : f32
          %mul3A_312 = vector.broadcast %mul3A_311 : f32 to vector<16xf32>
          %mul3A_313 = arith.mulf %mul3A_312, %mul3A_310 : vector<16xf32>
          %add3A_314 = arith.constant 0.285714298 : f32
          %add3A_315 = vector.broadcast %add3A_314 : f32 to vector<16xf32>
          %add3A_316 = arith.addf %mul3A_313, %add3A_315 : vector<16xf32>
          %mul3A_317 = arith.mulf %add3A_316, %mul3A_310 : vector<16xf32>
          %add3A_318 = arith.constant 4.000000e-01 : f32
          %add3A_319 = vector.broadcast %add3A_318 : f32 to vector<16xf32>
          %add3A_320 = arith.addf %mul3A_317, %add3A_319 : vector<16xf32>
          %mul3A_321 = arith.mulf %add3A_320, %mul3A_310 : vector<16xf32>
          %add3A_322 = arith.constant 0.666666686 : f32
          %add3A_323 = vector.broadcast %add3A_322 : f32 to vector<16xf32>
          %add3A_324 = arith.addf %mul3A_321, %add3A_323 : vector<16xf32>
          %mul3A_325 = arith.mulf %add3A_324, %mul3A_310 : vector<16xf32>
          %add3A_326 = arith.constant 2.000000e+00 : f32
          %add3A_327 = vector.broadcast %add3A_326 : f32 to vector<16xf32>
          %add3A_328 = arith.addf %mul3A_325, %add3A_327 : vector<16xf32>
          %mul3A_329 = arith.mulf %div3A_309, %add3A_328 : vector<16xf32>
          %max3A = arith.constant 0.000000e+00 : f32
          %max3A_330 = vector.broadcast %max3A : f32 to vector<16xf32>
          %max3A_331 = arith.maximumf %add3A_293, %max3A_330 : vector<16xf32>
          %add3A_332 = arith.addf %max3A_331, %mul3A_329 : vector<16xf32>
          %mul3A_333 = arith.mulf %div3A_301, %add3A_332 : vector<16xf32>
          %mul3A_334 = arith.mulf %mul3A_333, %gather3A_265 : vector<16xf32>
          %swap3A_335 = arith.index_cast %scan3A_238 : i32 to index
          %swap3A_336 = arith.constant 0 : index
          %swap3A_337 = tpu.vector_load %arg17[%swap3A_335, %swap3A_336] {strides = array<i32>} : memref<40x128xf32, #tpu.memory_space<vmem>>, vector<1x16xf32>,
          %swap3A_338 = vector.shape_cast %swap3A_337 : vector<1x16xf32> to vector<16xf32>
          %swap3A_339 = vector.shape_cast %mul3A_334 : vector<16xf32> to vector<1x16xf32>
          tpu.vector_store %arg17[%swap3A_335, %swap3A_336], %swap3A_339 {strides = array<i32>} : memref<40x128xf32, #tpu.memory_space<vmem>>, vector<1x16xf32>,
          %get3A_340 = arith.index_cast %scan3A_238 : i32 to index
          %get3A_341 = arith.constant 16 : index
          %get3A_342 = tpu.vector_load %arg14[%get3A_340, %get3A_341] {strides = array<i32>} : memref<40x256xf32, #tpu.memory_space<vmem>>, vector<1x16xf32>,
          %get3A_343 = vector.shape_cast %get3A_342 : vector<1x16xf32> to vector<16xf32>
          %get3A_344 = arith.index_cast %scan3A_238 : i32 to index
          %get3A_345 = arith.constant 16 : index
          %get3A_346 = tpu.vector_load %arg15[%get3A_344, %get3A_345] {strides = array<i32>} : memref<40x256xf32, #tpu.memory_space<vmem>>, vector<1x16xf32>,
          %get3A_347 = vector.shape_cast %get3A_346 : vector<1x16xf32> to vector<16xf32>
          %add3A_348 = arith.addf %get3A_343, %get3A_347 : vector<16xf32>
          %get3A_349 = arith.index_cast %scan3A_238 : i32 to index
          %get3A_350 = arith.constant 16 : index
          %get3A_351 = tpu.vector_load %arg16[%get3A_349, %get3A_350] {strides = array<i32>} : memref<40x256xf32, #tpu.memory_space<vmem>>, vector<1x16xf32>,
          %get3A_352 = vector.shape_cast %get3A_351 : vector<1x16xf32> to vector<16xf32>
          %add3A_353 = arith.addf %add3A_348, %get3A_352 : vector<16xf32>
          %get3A_354 = arith.index_cast %scan3A_238 : i32 to index
          %get3A_355 = arith.constant 144 : index
          %get3A_356 = tpu.vector_load %arg14[%get3A_354, %get3A_355] {strides = array<i32>} : memref<40x256xf32, #tpu.memory_space<vmem>>, vector<1x16xf32>,
          %get3A_357 = vector.shape_cast %get3A_356 : vector<1x16xf32> to vector<16xf32>
          %get3A_358 = arith.index_cast %scan3A_238 : i32 to index
          %get3A_359 = arith.constant 144 : index
          %get3A_360 = tpu.vector_load %arg15[%get3A_358, %get3A_359] {strides = array<i32>} : memref<40x256xf32, #tpu.memory_space<vmem>>, vector<1x16xf32>,
          %get3A_361 = vector.shape_cast %get3A_360 : vector<1x16xf32> to vector<16xf32>
          %add3A_362 = arith.addf %get3A_357, %get3A_361 : vector<16xf32>
          %get3A_363 = arith.index_cast %scan3A_238 : i32 to index
          %get3A_364 = arith.constant 144 : index
          %get3A_365 = tpu.vector_load %arg16[%get3A_363, %get3A_364] {strides = array<i32>} : memref<40x256xf32, #tpu.memory_space<vmem>>, vector<1x16xf32>,
          %get3A_366 = vector.shape_cast %get3A_365 : vector<1x16xf32> to vector<16xf32>
          %add3A_367 = arith.addf %add3A_362, %get3A_366 : vector<16xf32>
          %neg3A_368 = arith.constant 0.000000e+00 : f32
          %neg3A_369 = vector.broadcast %neg3A_368 : f32 to vector<16xf32>
          %neg3A_370 = arith.subf %neg3A_369, %add3A_353 : vector<16xf32>
          %exp3A_371 = math.exp %neg3A_370 : vector<16xf32>
          %add3A_372 = arith.constant 1.000000e+00 : f32
          %add3A_373 = vector.broadcast %add3A_372 : f32 to vector<16xf32>
          %add3A_374 = arith.addf %add3A_373, %exp3A_371 : vector<16xf32>
          %div3A_375 = arith.constant 1.000000e+00 : f32
          %div3A_376 = vector.broadcast %div3A_375 : f32 to vector<16xf32>
          %div3A_377 = arith.divf %div3A_376, %add3A_374 : vector<16xf32>
          %abs3A_378 = math.absf %add3A_367 : vector<16xf32>
          %neg3A_379 = arith.constant 0.000000e+00 : f32
          %neg3A_380 = vector.broadcast %neg3A_379 : f32 to vector<16xf32>
          %neg3A_381 = arith.subf %neg3A_380, %abs3A_378 : vector<16xf32>
          %exp3A_382 = math.exp %neg3A_381 : vector<16xf32>
          %add3A_383 = arith.constant 2.000000e+00 : f32
          %add3A_384 = vector.broadcast %add3A_383 : f32 to vector<16xf32>
          %add3A_385 = arith.addf %exp3A_382, %add3A_384 : vector<16xf32>
          %div3A_386 = arith.divf %exp3A_382, %add3A_385 : vector<16xf32>
          %mul3A_387 = arith.mulf %div3A_386, %div3A_386 : vector<16xf32>
          %mul3A_388 = arith.constant 0.222222224 : f32
          %mul3A_389 = vector.broadcast %mul3A_388 : f32 to vector<16xf32>
          %mul3A_390 = arith.mulf %mul3A_389, %mul3A_387 : vector<16xf32>
          %add3A_391 = arith.constant 0.285714298 : f32
          %add3A_392 = vector.broadcast %add3A_391 : f32 to vector<16xf32>
          %add3A_393 = arith.addf %mul3A_390, %add3A_392 : vector<16xf32>
          %mul3A_394 = arith.mulf %add3A_393, %mul3A_387 : vector<16xf32>
          %add3A_395 = arith.constant 4.000000e-01 : f32
          %add3A_396 = vector.broadcast %add3A_395 : f32 to vector<16xf32>
          %add3A_397 = arith.addf %mul3A_394, %add3A_396 : vector<16xf32>
          %mul3A_398 = arith.mulf %add3A_397, %mul3A_387 : vector<16xf32>
          %add3A_399 = arith.constant 0.666666686 : f32
          %add3A_400 = vector.broadcast %add3A_399 : f32 to vector<16xf32>
          %add3A_401 = arith.addf %mul3A_398, %add3A_400 : vector<16xf32>
          %mul3A_402 = arith.mulf %add3A_401, %mul3A_387 : vector<16xf32>
          %add3A_403 = arith.constant 2.000000e+00 : f32
          %add3A_404 = vector.broadcast %add3A_403 : f32 to vector<16xf32>
          %add3A_405 = arith.addf %mul3A_402, %add3A_404 : vector<16xf32>
          %mul3A_406 = arith.mulf %div3A_386, %add3A_405 : vector<16xf32>
          %max3A_407 = arith.constant 0.000000e+00 : f32
          %max3A_408 = vector.broadcast %max3A_407 : f32 to vector<16xf32>
          %max3A_409 = arith.maximumf %add3A_367, %max3A_408 : vector<16xf32>
          %add3A_410 = arith.addf %max3A_409, %mul3A_406 : vector<16xf32>
          %mul3A_411 = arith.mulf %div3A_377, %add3A_410 : vector<16xf32>
          %mul3A_412 = arith.mulf %mul3A_411, %gather3A_265 : vector<16xf32>
          %swap3A_413 = arith.index_cast %scan3A_238 : i32 to index
          %swap3A_414 = arith.constant 16 : index
          %swap3A_415 = tpu.vector_load %arg17[%swap3A_413, %swap3A_414] {strides = array<i32>} : memref<40x128xf32, #tpu.memory_space<vmem>>, vector<1x16xf32>,
          %swap3A_416 = vector.shape_cast %swap3A_415 : vector<1x16xf32> to vector<16xf32>
          %swap3A_417 = vector.shape_cast %mul3A_412 : vector<16xf32> to vector<1x16xf32>
          tpu.vector_store %arg17[%swap3A_413, %swap3A_414], %swap3A_417 {strides = array<i32>} : memref<40x128xf32, #tpu.memory_space<vmem>>, vector<1x16xf32>,
          %get3A_418 = arith.index_cast %scan3A_238 : i32 to index
          %get3A_419 = arith.constant 32 : index
          %get3A_420 = tpu.vector_load %arg14[%get3A_418, %get3A_419] {strides = array<i32>} : memref<40x256xf32, #tpu.memory_space<vmem>>, vector<1x16xf32>,
          %get3A_421 = vector.shape_cast %get3A_420 : vector<1x16xf32> to vector<16xf32>
          %get3A_422 = arith.index_cast %scan3A_238 : i32 to index
          %get3A_423 = arith.constant 32 : index
          %get3A_424 = tpu.vector_load %arg15[%get3A_422, %get3A_423] {strides = array<i32>} : memref<40x256xf32, #tpu.memory_space<vmem>>, vector<1x16xf32>,
          %get3A_425 = vector.shape_cast %get3A_424 : vector<1x16xf32> to vector<16xf32>
          %add3A_426 = arith.addf %get3A_421, %get3A_425 : vector<16xf32>
          %get3A_427 = arith.index_cast %scan3A_238 : i32 to index
          %get3A_428 = arith.constant 32 : index
          %get3A_429 = tpu.vector_load %arg16[%get3A_427, %get3A_428] {strides = array<i32>} : memref<40x256xf32, #tpu.memory_space<vmem>>, vector<1x16xf32>,
          %get3A_430 = vector.shape_cast %get3A_429 : vector<1x16xf32> to vector<16xf32>
          %add3A_431 = arith.addf %add3A_426, %get3A_430 : vector<16xf32>
          %get3A_432 = arith.index_cast %scan3A_238 : i32 to index
          %get3A_433 = arith.constant 160 : index
          %get3A_434 = tpu.vector_load %arg14[%get3A_432, %get3A_433] {strides = array<i32>} : memref<40x256xf32, #tpu.memory_space<vmem>>, vector<1x16xf32>,
          %get3A_435 = vector.shape_cast %get3A_434 : vector<1x16xf32> to vector<16xf32>
          %get3A_436 = arith.index_cast %scan3A_238 : i32 to index
          %get3A_437 = arith.constant 160 : index
          %get3A_438 = tpu.vector_load %arg15[%get3A_436, %get3A_437] {strides = array<i32>} : memref<40x256xf32, #tpu.memory_space<vmem>>, vector<1x16xf32>,
          %get3A_439 = vector.shape_cast %get3A_438 : vector<1x16xf32> to vector<16xf32>
          %add3A_440 = arith.addf %get3A_435, %get3A_439 : vector<16xf32>
          %get3A_441 = arith.index_cast %scan3A_238 : i32 to index
          %get3A_442 = arith.constant 160 : index
          %get3A_443 = tpu.vector_load %arg16[%get3A_441, %get3A_442] {strides = array<i32>} : memref<40x256xf32, #tpu.memory_space<vmem>>, vector<1x16xf32>,
          %get3A_444 = vector.shape_cast %get3A_443 : vector<1x16xf32> to vector<16xf32>
          %add3A_445 = arith.addf %add3A_440, %get3A_444 : vector<16xf32>
          %neg3A_446 = arith.constant 0.000000e+00 : f32
          %neg3A_447 = vector.broadcast %neg3A_446 : f32 to vector<16xf32>
          %neg3A_448 = arith.subf %neg3A_447, %add3A_431 : vector<16xf32>
          %exp3A_449 = math.exp %neg3A_448 : vector<16xf32>
          %add3A_450 = arith.constant 1.000000e+00 : f32
          %add3A_451 = vector.broadcast %add3A_450 : f32 to vector<16xf32>
          %add3A_452 = arith.addf %add3A_451, %exp3A_449 : vector<16xf32>
          %div3A_453 = arith.constant 1.000000e+00 : f32
          %div3A_454 = vector.broadcast %div3A_453 : f32 to vector<16xf32>
          %div3A_455 = arith.divf %div3A_454, %add3A_452 : vector<16xf32>
          %abs3A_456 = math.absf %add3A_445 : vector<16xf32>
          %neg3A_457 = arith.constant 0.000000e+00 : f32
          %neg3A_458 = vector.broadcast %neg3A_457 : f32 to vector<16xf32>
          %neg3A_459 = arith.subf %neg3A_458, %abs3A_456 : vector<16xf32>
          %exp3A_460 = math.exp %neg3A_459 : vector<16xf32>
          %add3A_461 = arith.constant 2.000000e+00 : f32
          %add3A_462 = vector.broadcast %add3A_461 : f32 to vector<16xf32>
          %add3A_463 = arith.addf %exp3A_460, %add3A_462 : vector<16xf32>
          %div3A_464 = arith.divf %exp3A_460, %add3A_463 : vector<16xf32>
          %mul3A_465 = arith.mulf %div3A_464, %div3A_464 : vector<16xf32>
          %mul3A_466 = arith.constant 0.222222224 : f32
          %mul3A_467 = vector.broadcast %mul3A_466 : f32 to vector<16xf32>
          %mul3A_468 = arith.mulf %mul3A_467, %mul3A_465 : vector<16xf32>
          %add3A_469 = arith.constant 0.285714298 : f32
          %add3A_470 = vector.broadcast %add3A_469 : f32 to vector<16xf32>
          %add3A_471 = arith.addf %mul3A_468, %add3A_470 : vector<16xf32>
          %mul3A_472 = arith.mulf %add3A_471, %mul3A_465 : vector<16xf32>
          %add3A_473 = arith.constant 4.000000e-01 : f32
          %add3A_474 = vector.broadcast %add3A_473 : f32 to vector<16xf32>
          %add3A_475 = arith.addf %mul3A_472, %add3A_474 : vector<16xf32>
          %mul3A_476 = arith.mulf %add3A_475, %mul3A_465 : vector<16xf32>
          %add3A_477 = arith.constant 0.666666686 : f32
          %add3A_478 = vector.broadcast %add3A_477 : f32 to vector<16xf32>
          %add3A_479 = arith.addf %mul3A_476, %add3A_478 : vector<16xf32>
          %mul3A_480 = arith.mulf %add3A_479, %mul3A_465 : vector<16xf32>
          %add3A_481 = arith.constant 2.000000e+00 : f32
          %add3A_482 = vector.broadcast %add3A_481 : f32 to vector<16xf32>
          %add3A_483 = arith.addf %mul3A_480, %add3A_482 : vector<16xf32>
          %mul3A_484 = arith.mulf %div3A_464, %add3A_483 : vector<16xf32>
          %max3A_485 = arith.constant 0.000000e+00 : f32
          %max3A_486 = vector.broadcast %max3A_485 : f32 to vector<16xf32>
          %max3A_487 = arith.maximumf %add3A_445, %max3A_486 : vector<16xf32>
          %add3A_488 = arith.addf %max3A_487, %mul3A_484 : vector<16xf32>
          %mul3A_489 = arith.mulf %div3A_455, %add3A_488 : vector<16xf32>
          %mul3A_490 = arith.mulf %mul3A_489, %gather3A_265 : vector<16xf32>
          %swap3A_491 = arith.index_cast %scan3A_238 : i32 to index
          %swap3A_492 = arith.constant 32 : index
          %swap3A_493 = tpu.vector_load %arg17[%swap3A_491, %swap3A_492] {strides = array<i32>} : memref<40x128xf32, #tpu.memory_space<vmem>>, vector<1x16xf32>,
          %swap3A_494 = vector.shape_cast %swap3A_493 : vector<1x16xf32> to vector<16xf32>
          %swap3A_495 = vector.shape_cast %mul3A_490 : vector<16xf32> to vector<1x16xf32>
          tpu.vector_store %arg17[%swap3A_491, %swap3A_492], %swap3A_495 {strides = array<i32>} : memref<40x128xf32, #tpu.memory_space<vmem>>, vector<1x16xf32>,
          %get3A_496 = arith.index_cast %scan3A_238 : i32 to index
          %get3A_497 = arith.constant 48 : index
          %get3A_498 = tpu.vector_load %arg14[%get3A_496, %get3A_497] {strides = array<i32>} : memref<40x256xf32, #tpu.memory_space<vmem>>, vector<1x16xf32>,
          %get3A_499 = vector.shape_cast %get3A_498 : vector<1x16xf32> to vector<16xf32>
          %get3A_500 = arith.index_cast %scan3A_238 : i32 to index
          %get3A_501 = arith.constant 48 : index
          %get3A_502 = tpu.vector_load %arg15[%get3A_500, %get3A_501] {strides = array<i32>} : memref<40x256xf32, #tpu.memory_space<vmem>>, vector<1x16xf32>,
          %get3A_503 = vector.shape_cast %get3A_502 : vector<1x16xf32> to vector<16xf32>
          %add3A_504 = arith.addf %get3A_499, %get3A_503 : vector<16xf32>
          %get3A_505 = arith.index_cast %scan3A_238 : i32 to index
          %get3A_506 = arith.constant 48 : index
          %get3A_507 = tpu.vector_load %arg16[%get3A_505, %get3A_506] {strides = array<i32>} : memref<40x256xf32, #tpu.memory_space<vmem>>, vector<1x16xf32>,
          %get3A_508 = vector.shape_cast %get3A_507 : vector<1x16xf32> to vector<16xf32>
          %add3A_509 = arith.addf %add3A_504, %get3A_508 : vector<16xf32>
          %get3A_510 = arith.index_cast %scan3A_238 : i32 to index
          %get3A_511 = arith.constant 176 : index
          %get3A_512 = tpu.vector_load %arg14[%get3A_510, %get3A_511] {strides = array<i32>} : memref<40x256xf32, #tpu.memory_space<vmem>>, vector<1x16xf32>,
          %get3A_513 = vector.shape_cast %get3A_512 : vector<1x16xf32> to vector<16xf32>
          %get3A_514 = arith.index_cast %scan3A_238 : i32 to index
          %get3A_515 = arith.constant 176 : index
          %get3A_516 = tpu.vector_load %arg15[%get3A_514, %get3A_515] {strides = array<i32>} : memref<40x256xf32, #tpu.memory_space<vmem>>, vector<1x16xf32>,
          %get3A_517 = vector.shape_cast %get3A_516 : vector<1x16xf32> to vector<16xf32>
          %add3A_518 = arith.addf %get3A_513, %get3A_517 : vector<16xf32>
          %get3A_519 = arith.index_cast %scan3A_238 : i32 to index
          %get3A_520 = arith.constant 176 : index
          %get3A_521 = tpu.vector_load %arg16[%get3A_519, %get3A_520] {strides = array<i32>} : memref<40x256xf32, #tpu.memory_space<vmem>>, vector<1x16xf32>,
          %get3A_522 = vector.shape_cast %get3A_521 : vector<1x16xf32> to vector<16xf32>
          %add3A_523 = arith.addf %add3A_518, %get3A_522 : vector<16xf32>
          %neg3A_524 = arith.constant 0.000000e+00 : f32
          %neg3A_525 = vector.broadcast %neg3A_524 : f32 to vector<16xf32>
          %neg3A_526 = arith.subf %neg3A_525, %add3A_509 : vector<16xf32>
          %exp3A_527 = math.exp %neg3A_526 : vector<16xf32>
          %add3A_528 = arith.constant 1.000000e+00 : f32
          %add3A_529 = vector.broadcast %add3A_528 : f32 to vector<16xf32>
          %add3A_530 = arith.addf %add3A_529, %exp3A_527 : vector<16xf32>
          %div3A_531 = arith.constant 1.000000e+00 : f32
          %div3A_532 = vector.broadcast %div3A_531 : f32 to vector<16xf32>
          %div3A_533 = arith.divf %div3A_532, %add3A_530 : vector<16xf32>
          %abs3A_534 = math.absf %add3A_523 : vector<16xf32>
          %neg3A_535 = arith.constant 0.000000e+00 : f32
          %neg3A_536 = vector.broadcast %neg3A_535 : f32 to vector<16xf32>
          %neg3A_537 = arith.subf %neg3A_536, %abs3A_534 : vector<16xf32>
          %exp3A_538 = math.exp %neg3A_537 : vector<16xf32>
          %add3A_539 = arith.constant 2.000000e+00 : f32
          %add3A_540 = vector.broadcast %add3A_539 : f32 to vector<16xf32>
          %add3A_541 = arith.addf %exp3A_538, %add3A_540 : vector<16xf32>
          %div3A_542 = arith.divf %exp3A_538, %add3A_541 : vector<16xf32>
          %mul3A_543 = arith.mulf %div3A_542, %div3A_542 : vector<16xf32>
          %mul3A_544 = arith.constant 0.222222224 : f32
          %mul3A_545 = vector.broadcast %mul3A_544 : f32 to vector<16xf32>
          %mul3A_546 = arith.mulf %mul3A_545, %mul3A_543 : vector<16xf32>
          %add3A_547 = arith.constant 0.285714298 : f32
          %add3A_548 = vector.broadcast %add3A_547 : f32 to vector<16xf32>
          %add3A_549 = arith.addf %mul3A_546, %add3A_548 : vector<16xf32>
          %mul3A_550 = arith.mulf %add3A_549, %mul3A_543 : vector<16xf32>
          %add3A_551 = arith.constant 4.000000e-01 : f32
          %add3A_552 = vector.broadcast %add3A_551 : f32 to vector<16xf32>
          %add3A_553 = arith.addf %mul3A_550, %add3A_552 : vector<16xf32>
          %mul3A_554 = arith.mulf %add3A_553, %mul3A_543 : vector<16xf32>
          %add3A_555 = arith.constant 0.666666686 : f32
          %add3A_556 = vector.broadcast %add3A_555 : f32 to vector<16xf32>
          %add3A_557 = arith.addf %mul3A_554, %add3A_556 : vector<16xf32>
          %mul3A_558 = arith.mulf %add3A_557, %mul3A_543 : vector<16xf32>
          %add3A_559 = arith.constant 2.000000e+00 : f32
          %add3A_560 = vector.broadcast %add3A_559 : f32 to vector<16xf32>
          %add3A_561 = arith.addf %mul3A_558, %add3A_560 : vector<16xf32>
          %mul3A_562 = arith.mulf %div3A_542, %add3A_561 : vector<16xf32>
          %max3A_563 = arith.constant 0.000000e+00 : f32
          %max3A_564 = vector.broadcast %max3A_563 : f32 to vector<16xf32>
          %max3A_565 = arith.maximumf %add3A_523, %max3A_564 : vector<16xf32>
          %add3A_566 = arith.addf %max3A_565, %mul3A_562 : vector<16xf32>
          %mul3A_567 = arith.mulf %div3A_533, %add3A_566 : vector<16xf32>
          %mul3A_568 = arith.mulf %mul3A_567, %gather3A_265 : vector<16xf32>
          %swap3A_569 = arith.index_cast %scan3A_238 : i32 to index
          %swap3A_570 = arith.constant 48 : index
          %swap3A_571 = tpu.vector_load %arg17[%swap3A_569, %swap3A_570] {strides = array<i32>} : memref<40x128xf32, #tpu.memory_space<vmem>>, vector<1x16xf32>,
          %swap3A_572 = vector.shape_cast %swap3A_571 : vector<1x16xf32> to vector<16xf32>
          %swap3A_573 = vector.shape_cast %mul3A_568 : vector<16xf32> to vector<1x16xf32>
          tpu.vector_store %arg17[%swap3A_569, %swap3A_570], %swap3A_573 {strides = array<i32>} : memref<40x128xf32, #tpu.memory_space<vmem>>, vector<1x16xf32>,
          %get3A_574 = arith.index_cast %scan3A_238 : i32 to index
          %get3A_575 = arith.constant 64 : index
          %get3A_576 = tpu.vector_load %arg14[%get3A_574, %get3A_575] {strides = array<i32>} : memref<40x256xf32, #tpu.memory_space<vmem>>, vector<1x16xf32>,
          %get3A_577 = vector.shape_cast %get3A_576 : vector<1x16xf32> to vector<16xf32>
          %get3A_578 = arith.index_cast %scan3A_238 : i32 to index
          %get3A_579 = arith.constant 64 : index
          %get3A_580 = tpu.vector_load %arg15[%get3A_578, %get3A_579] {strides = array<i32>} : memref<40x256xf32, #tpu.memory_space<vmem>>, vector<1x16xf32>,
          %get3A_581 = vector.shape_cast %get3A_580 : vector<1x16xf32> to vector<16xf32>
          %add3A_582 = arith.addf %get3A_577, %get3A_581 : vector<16xf32>
          %get3A_583 = arith.index_cast %scan3A_238 : i32 to index
          %get3A_584 = arith.constant 64 : index
          %get3A_585 = tpu.vector_load %arg16[%get3A_583, %get3A_584] {strides = array<i32>} : memref<40x256xf32, #tpu.memory_space<vmem>>, vector<1x16xf32>,
          %get3A_586 = vector.shape_cast %get3A_585 : vector<1x16xf32> to vector<16xf32>
          %add3A_587 = arith.addf %add3A_582, %get3A_586 : vector<16xf32>
          %get3A_588 = arith.index_cast %scan3A_238 : i32 to index
          %get3A_589 = arith.constant 192 : index
          %get3A_590 = tpu.vector_load %arg14[%get3A_588, %get3A_589] {strides = array<i32>} : memref<40x256xf32, #tpu.memory_space<vmem>>, vector<1x16xf32>,
          %get3A_591 = vector.shape_cast %get3A_590 : vector<1x16xf32> to vector<16xf32>
          %get3A_592 = arith.index_cast %scan3A_238 : i32 to index
          %get3A_593 = arith.constant 192 : index
          %get3A_594 = tpu.vector_load %arg15[%get3A_592, %get3A_593] {strides = array<i32>} : memref<40x256xf32, #tpu.memory_space<vmem>>, vector<1x16xf32>,
          %get3A_595 = vector.shape_cast %get3A_594 : vector<1x16xf32> to vector<16xf32>
          %add3A_596 = arith.addf %get3A_591, %get3A_595 : vector<16xf32>
          %get3A_597 = arith.index_cast %scan3A_238 : i32 to index
          %get3A_598 = arith.constant 192 : index
          %get3A_599 = tpu.vector_load %arg16[%get3A_597, %get3A_598] {strides = array<i32>} : memref<40x256xf32, #tpu.memory_space<vmem>>, vector<1x16xf32>,
          %get3A_600 = vector.shape_cast %get3A_599 : vector<1x16xf32> to vector<16xf32>
          %add3A_601 = arith.addf %add3A_596, %get3A_600 : vector<16xf32>
          %neg3A_602 = arith.constant 0.000000e+00 : f32
          %neg3A_603 = vector.broadcast %neg3A_602 : f32 to vector<16xf32>
          %neg3A_604 = arith.subf %neg3A_603, %add3A_587 : vector<16xf32>
          %exp3A_605 = math.exp %neg3A_604 : vector<16xf32>
          %add3A_606 = arith.constant 1.000000e+00 : f32
          %add3A_607 = vector.broadcast %add3A_606 : f32 to vector<16xf32>
          %add3A_608 = arith.addf %add3A_607, %exp3A_605 : vector<16xf32>
          %div3A_609 = arith.constant 1.000000e+00 : f32
          %div3A_610 = vector.broadcast %div3A_609 : f32 to vector<16xf32>
          %div3A_611 = arith.divf %div3A_610, %add3A_608 : vector<16xf32>
          %abs3A_612 = math.absf %add3A_601 : vector<16xf32>
          %neg3A_613 = arith.constant 0.000000e+00 : f32
          %neg3A_614 = vector.broadcast %neg3A_613 : f32 to vector<16xf32>
          %neg3A_615 = arith.subf %neg3A_614, %abs3A_612 : vector<16xf32>
          %exp3A_616 = math.exp %neg3A_615 : vector<16xf32>
          %add3A_617 = arith.constant 2.000000e+00 : f32
          %add3A_618 = vector.broadcast %add3A_617 : f32 to vector<16xf32>
          %add3A_619 = arith.addf %exp3A_616, %add3A_618 : vector<16xf32>
          %div3A_620 = arith.divf %exp3A_616, %add3A_619 : vector<16xf32>
          %mul3A_621 = arith.mulf %div3A_620, %div3A_620 : vector<16xf32>
          %mul3A_622 = arith.constant 0.222222224 : f32
          %mul3A_623 = vector.broadcast %mul3A_622 : f32 to vector<16xf32>
          %mul3A_624 = arith.mulf %mul3A_623, %mul3A_621 : vector<16xf32>
          %add3A_625 = arith.constant 0.285714298 : f32
          %add3A_626 = vector.broadcast %add3A_625 : f32 to vector<16xf32>
          %add3A_627 = arith.addf %mul3A_624, %add3A_626 : vector<16xf32>
          %mul3A_628 = arith.mulf %add3A_627, %mul3A_621 : vector<16xf32>
          %add3A_629 = arith.constant 4.000000e-01 : f32
          %add3A_630 = vector.broadcast %add3A_629 : f32 to vector<16xf32>
          %add3A_631 = arith.addf %mul3A_628, %add3A_630 : vector<16xf32>
          %mul3A_632 = arith.mulf %add3A_631, %mul3A_621 : vector<16xf32>
          %add3A_633 = arith.constant 0.666666686 : f32
          %add3A_634 = vector.broadcast %add3A_633 : f32 to vector<16xf32>
          %add3A_635 = arith.addf %mul3A_632, %add3A_634 : vector<16xf32>
          %mul3A_636 = arith.mulf %add3A_635, %mul3A_621 : vector<16xf32>
          %add3A_637 = arith.constant 2.000000e+00 : f32
          %add3A_638 = vector.broadcast %add3A_637 : f32 to vector<16xf32>
          %add3A_639 = arith.addf %mul3A_636, %add3A_638 : vector<16xf32>
          %mul3A_640 = arith.mulf %div3A_620, %add3A_639 : vector<16xf32>
          %max3A_641 = arith.constant 0.000000e+00 : f32
          %max3A_642 = vector.broadcast %max3A_641 : f32 to vector<16xf32>
          %max3A_643 = arith.maximumf %add3A_601, %max3A_642 : vector<16xf32>
          %add3A_644 = arith.addf %max3A_643, %mul3A_640 : vector<16xf32>
          %mul3A_645 = arith.mulf %div3A_611, %add3A_644 : vector<16xf32>
          %mul3A_646 = arith.mulf %mul3A_645, %gather3A_265 : vector<16xf32>
          %swap3A_647 = arith.index_cast %scan3A_238 : i32 to index
          %swap3A_648 = arith.constant 64 : index
          %swap3A_649 = tpu.vector_load %arg17[%swap3A_647, %swap3A_648] {strides = array<i32>} : memref<40x128xf32, #tpu.memory_space<vmem>>, vector<1x16xf32>,
          %swap3A_650 = vector.shape_cast %swap3A_649 : vector<1x16xf32> to vector<16xf32>
          %swap3A_651 = vector.shape_cast %mul3A_646 : vector<16xf32> to vector<1x16xf32>
          tpu.vector_store %arg17[%swap3A_647, %swap3A_648], %swap3A_651 {strides = array<i32>} : memref<40x128xf32, #tpu.memory_space<vmem>>, vector<1x16xf32>,
          %get3A_652 = arith.index_cast %scan3A_238 : i32 to index
          %get3A_653 = arith.constant 80 : index
          %get3A_654 = tpu.vector_load %arg14[%get3A_652, %get3A_653] {strides = array<i32>} : memref<40x256xf32, #tpu.memory_space<vmem>>, vector<1x16xf32>,
          %get3A_655 = vector.shape_cast %get3A_654 : vector<1x16xf32> to vector<16xf32>
          %get3A_656 = arith.index_cast %scan3A_238 : i32 to index
          %get3A_657 = arith.constant 80 : index
          %get3A_658 = tpu.vector_load %arg15[%get3A_656, %get3A_657] {strides = array<i32>} : memref<40x256xf32, #tpu.memory_space<vmem>>, vector<1x16xf32>,
          %get3A_659 = vector.shape_cast %get3A_658 : vector<1x16xf32> to vector<16xf32>
          %add3A_660 = arith.addf %get3A_655, %get3A_659 : vector<16xf32>
          %get3A_661 = arith.index_cast %scan3A_238 : i32 to index
          %get3A_662 = arith.constant 80 : index
          %get3A_663 = tpu.vector_load %arg16[%get3A_661, %get3A_662] {strides = array<i32>} : memref<40x256xf32, #tpu.memory_space<vmem>>, vector<1x16xf32>,
          %get3A_664 = vector.shape_cast %get3A_663 : vector<1x16xf32> to vector<16xf32>
          %add3A_665 = arith.addf %add3A_660, %get3A_664 : vector<16xf32>
          %get3A_666 = arith.index_cast %scan3A_238 : i32 to index
          %get3A_667 = arith.constant 208 : index
          %get3A_668 = tpu.vector_load %arg14[%get3A_666, %get3A_667] {strides = array<i32>} : memref<40x256xf32, #tpu.memory_space<vmem>>, vector<1x16xf32>,
          %get3A_669 = vector.shape_cast %get3A_668 : vector<1x16xf32> to vector<16xf32>
          %get3A_670 = arith.index_cast %scan3A_238 : i32 to index
          %get3A_671 = arith.constant 208 : index
          %get3A_672 = tpu.vector_load %arg15[%get3A_670, %get3A_671] {strides = array<i32>} : memref<40x256xf32, #tpu.memory_space<vmem>>, vector<1x16xf32>,
          %get3A_673 = vector.shape_cast %get3A_672 : vector<1x16xf32> to vector<16xf32>
          %add3A_674 = arith.addf %get3A_669, %get3A_673 : vector<16xf32>
          %get3A_675 = arith.index_cast %scan3A_238 : i32 to index
          %get3A_676 = arith.constant 208 : index
          %get3A_677 = tpu.vector_load %arg16[%get3A_675, %get3A_676] {strides = array<i32>} : memref<40x256xf32, #tpu.memory_space<vmem>>, vector<1x16xf32>,
          %get3A_678 = vector.shape_cast %get3A_677 : vector<1x16xf32> to vector<16xf32>
          %add3A_679 = arith.addf %add3A_674, %get3A_678 : vector<16xf32>
          %neg3A_680 = arith.constant 0.000000e+00 : f32
          %neg3A_681 = vector.broadcast %neg3A_680 : f32 to vector<16xf32>
          %neg3A_682 = arith.subf %neg3A_681, %add3A_665 : vector<16xf32>
          %exp3A_683 = math.exp %neg3A_682 : vector<16xf32>
          %add3A_684 = arith.constant 1.000000e+00 : f32
          %add3A_685 = vector.broadcast %add3A_684 : f32 to vector<16xf32>
          %add3A_686 = arith.addf %add3A_685, %exp3A_683 : vector<16xf32>
          %div3A_687 = arith.constant 1.000000e+00 : f32
          %div3A_688 = vector.broadcast %div3A_687 : f32 to vector<16xf32>
          %div3A_689 = arith.divf %div3A_688, %add3A_686 : vector<16xf32>
          %abs3A_690 = math.absf %add3A_679 : vector<16xf32>
          %neg3A_691 = arith.constant 0.000000e+00 : f32
          %neg3A_692 = vector.broadcast %neg3A_691 : f32 to vector<16xf32>
          %neg3A_693 = arith.subf %neg3A_692, %abs3A_690 : vector<16xf32>
          %exp3A_694 = math.exp %neg3A_693 : vector<16xf32>
          %add3A_695 = arith.constant 2.000000e+00 : f32
          %add3A_696 = vector.broadcast %add3A_695 : f32 to vector<16xf32>
          %add3A_697 = arith.addf %exp3A_694, %add3A_696 : vector<16xf32>
          %div3A_698 = arith.divf %exp3A_694, %add3A_697 : vector<16xf32>
          %mul3A_699 = arith.mulf %div3A_698, %div3A_698 : vector<16xf32>
          %mul3A_700 = arith.constant 0.222222224 : f32
          %mul3A_701 = vector.broadcast %mul3A_700 : f32 to vector<16xf32>
          %mul3A_702 = arith.mulf %mul3A_701, %mul3A_699 : vector<16xf32>
          %add3A_703 = arith.constant 0.285714298 : f32
          %add3A_704 = vector.broadcast %add3A_703 : f32 to vector<16xf32>
          %add3A_705 = arith.addf %mul3A_702, %add3A_704 : vector<16xf32>
          %mul3A_706 = arith.mulf %add3A_705, %mul3A_699 : vector<16xf32>
          %add3A_707 = arith.constant 4.000000e-01 : f32
          %add3A_708 = vector.broadcast %add3A_707 : f32 to vector<16xf32>
          %add3A_709 = arith.addf %mul3A_706, %add3A_708 : vector<16xf32>
          %mul3A_710 = arith.mulf %add3A_709, %mul3A_699 : vector<16xf32>
          %add3A_711 = arith.constant 0.666666686 : f32
          %add3A_712 = vector.broadcast %add3A_711 : f32 to vector<16xf32>
          %add3A_713 = arith.addf %mul3A_710, %add3A_712 : vector<16xf32>
          %mul3A_714 = arith.mulf %add3A_713, %mul3A_699 : vector<16xf32>
          %add3A_715 = arith.constant 2.000000e+00 : f32
          %add3A_716 = vector.broadcast %add3A_715 : f32 to vector<16xf32>
          %add3A_717 = arith.addf %mul3A_714, %add3A_716 : vector<16xf32>
          %mul3A_718 = arith.mulf %div3A_698, %add3A_717 : vector<16xf32>
          %max3A_719 = arith.constant 0.000000e+00 : f32
          %max3A_720 = vector.broadcast %max3A_719 : f32 to vector<16xf32>
          %max3A_721 = arith.maximumf %add3A_679, %max3A_720 : vector<16xf32>
          %add3A_722 = arith.addf %max3A_721, %mul3A_718 : vector<16xf32>
          %mul3A_723 = arith.mulf %div3A_689, %add3A_722 : vector<16xf32>
          %mul3A_724 = arith.mulf %mul3A_723, %gather3A_265 : vector<16xf32>
          %swap3A_725 = arith.index_cast %scan3A_238 : i32 to index
          %swap3A_726 = arith.constant 80 : index
          %swap3A_727 = tpu.vector_load %arg17[%swap3A_725, %swap3A_726] {strides = array<i32>} : memref<40x128xf32, #tpu.memory_space<vmem>>, vector<1x16xf32>,
          %swap3A_728 = vector.shape_cast %swap3A_727 : vector<1x16xf32> to vector<16xf32>
          %swap3A_729 = vector.shape_cast %mul3A_724 : vector<16xf32> to vector<1x16xf32>
          tpu.vector_store %arg17[%swap3A_725, %swap3A_726], %swap3A_729 {strides = array<i32>} : memref<40x128xf32, #tpu.memory_space<vmem>>, vector<1x16xf32>,
          %get3A_730 = arith.index_cast %scan3A_238 : i32 to index
          %get3A_731 = arith.constant 96 : index
          %get3A_732 = tpu.vector_load %arg14[%get3A_730, %get3A_731] {strides = array<i32>} : memref<40x256xf32, #tpu.memory_space<vmem>>, vector<1x16xf32>,
          %get3A_733 = vector.shape_cast %get3A_732 : vector<1x16xf32> to vector<16xf32>
          %get3A_734 = arith.index_cast %scan3A_238 : i32 to index
          %get3A_735 = arith.constant 96 : index
          %get3A_736 = tpu.vector_load %arg15[%get3A_734, %get3A_735] {strides = array<i32>} : memref<40x256xf32, #tpu.memory_space<vmem>>, vector<1x16xf32>,
          %get3A_737 = vector.shape_cast %get3A_736 : vector<1x16xf32> to vector<16xf32>
          %add3A_738 = arith.addf %get3A_733, %get3A_737 : vector<16xf32>
          %get3A_739 = arith.index_cast %scan3A_238 : i32 to index
          %get3A_740 = arith.constant 96 : index
          %get3A_741 = tpu.vector_load %arg16[%get3A_739, %get3A_740] {strides = array<i32>} : memref<40x256xf32, #tpu.memory_space<vmem>>, vector<1x16xf32>,
          %get3A_742 = vector.shape_cast %get3A_741 : vector<1x16xf32> to vector<16xf32>
          %add3A_743 = arith.addf %add3A_738, %get3A_742 : vector<16xf32>
          %get3A_744 = arith.index_cast %scan3A_238 : i32 to index
          %get3A_745 = arith.constant 224 : index
          %get3A_746 = tpu.vector_load %arg14[%get3A_744, %get3A_745] {strides = array<i32>} : memref<40x256xf32, #tpu.memory_space<vmem>>, vector<1x16xf32>,
          %get3A_747 = vector.shape_cast %get3A_746 : vector<1x16xf32> to vector<16xf32>
          %get3A_748 = arith.index_cast %scan3A_238 : i32 to index
          %get3A_749 = arith.constant 224 : index
          %get3A_750 = tpu.vector_load %arg15[%get3A_748, %get3A_749] {strides = array<i32>} : memref<40x256xf32, #tpu.memory_space<vmem>>, vector<1x16xf32>,
          %get3A_751 = vector.shape_cast %get3A_750 : vector<1x16xf32> to vector<16xf32>
          %add3A_752 = arith.addf %get3A_747, %get3A_751 : vector<16xf32>
          %get3A_753 = arith.index_cast %scan3A_238 : i32 to index
          %get3A_754 = arith.constant 224 : index
          %get3A_755 = tpu.vector_load %arg16[%get3A_753, %get3A_754] {strides = array<i32>} : memref<40x256xf32, #tpu.memory_space<vmem>>, vector<1x16xf32>,
          %get3A_756 = vector.shape_cast %get3A_755 : vector<1x16xf32> to vector<16xf32>
          %add3A_757 = arith.addf %add3A_752, %get3A_756 : vector<16xf32>
          %neg3A_758 = arith.constant 0.000000e+00 : f32
          %neg3A_759 = vector.broadcast %neg3A_758 : f32 to vector<16xf32>
          %neg3A_760 = arith.subf %neg3A_759, %add3A_743 : vector<16xf32>
          %exp3A_761 = math.exp %neg3A_760 : vector<16xf32>
          %add3A_762 = arith.constant 1.000000e+00 : f32
          %add3A_763 = vector.broadcast %add3A_762 : f32 to vector<16xf32>
          %add3A_764 = arith.addf %add3A_763, %exp3A_761 : vector<16xf32>
          %div3A_765 = arith.constant 1.000000e+00 : f32
          %div3A_766 = vector.broadcast %div3A_765 : f32 to vector<16xf32>
          %div3A_767 = arith.divf %div3A_766, %add3A_764 : vector<16xf32>
          %abs3A_768 = math.absf %add3A_757 : vector<16xf32>
          %neg3A_769 = arith.constant 0.000000e+00 : f32
          %neg3A_770 = vector.broadcast %neg3A_769 : f32 to vector<16xf32>
          %neg3A_771 = arith.subf %neg3A_770, %abs3A_768 : vector<16xf32>
          %exp3A_772 = math.exp %neg3A_771 : vector<16xf32>
          %add3A_773 = arith.constant 2.000000e+00 : f32
          %add3A_774 = vector.broadcast %add3A_773 : f32 to vector<16xf32>
          %add3A_775 = arith.addf %exp3A_772, %add3A_774 : vector<16xf32>
          %div3A_776 = arith.divf %exp3A_772, %add3A_775 : vector<16xf32>
          %mul3A_777 = arith.mulf %div3A_776, %div3A_776 : vector<16xf32>
          %mul3A_778 = arith.constant 0.222222224 : f32
          %mul3A_779 = vector.broadcast %mul3A_778 : f32 to vector<16xf32>
          %mul3A_780 = arith.mulf %mul3A_779, %mul3A_777 : vector<16xf32>
          %add3A_781 = arith.constant 0.285714298 : f32
          %add3A_782 = vector.broadcast %add3A_781 : f32 to vector<16xf32>
          %add3A_783 = arith.addf %mul3A_780, %add3A_782 : vector<16xf32>
          %mul3A_784 = arith.mulf %add3A_783, %mul3A_777 : vector<16xf32>
          %add3A_785 = arith.constant 4.000000e-01 : f32
          %add3A_786 = vector.broadcast %add3A_785 : f32 to vector<16xf32>
          %add3A_787 = arith.addf %mul3A_784, %add3A_786 : vector<16xf32>
          %mul3A_788 = arith.mulf %add3A_787, %mul3A_777 : vector<16xf32>
          %add3A_789 = arith.constant 0.666666686 : f32
          %add3A_790 = vector.broadcast %add3A_789 : f32 to vector<16xf32>
          %add3A_791 = arith.addf %mul3A_788, %add3A_790 : vector<16xf32>
          %mul3A_792 = arith.mulf %add3A_791, %mul3A_777 : vector<16xf32>
          %add3A_793 = arith.constant 2.000000e+00 : f32
          %add3A_794 = vector.broadcast %add3A_793 : f32 to vector<16xf32>
          %add3A_795 = arith.addf %mul3A_792, %add3A_794 : vector<16xf32>
          %mul3A_796 = arith.mulf %div3A_776, %add3A_795 : vector<16xf32>
          %max3A_797 = arith.constant 0.000000e+00 : f32
          %max3A_798 = vector.broadcast %max3A_797 : f32 to vector<16xf32>
          %max3A_799 = arith.maximumf %add3A_757, %max3A_798 : vector<16xf32>
          %add3A_800 = arith.addf %max3A_799, %mul3A_796 : vector<16xf32>
          %mul3A_801 = arith.mulf %div3A_767, %add3A_800 : vector<16xf32>
          %mul3A_802 = arith.mulf %mul3A_801, %gather3A_265 : vector<16xf32>
          %swap3A_803 = arith.index_cast %scan3A_238 : i32 to index
          %swap3A_804 = arith.constant 96 : index
          %swap3A_805 = tpu.vector_load %arg17[%swap3A_803, %swap3A_804] {strides = array<i32>} : memref<40x128xf32, #tpu.memory_space<vmem>>, vector<1x16xf32>,
          %swap3A_806 = vector.shape_cast %swap3A_805 : vector<1x16xf32> to vector<16xf32>
          %swap3A_807 = vector.shape_cast %mul3A_802 : vector<16xf32> to vector<1x16xf32>
          tpu.vector_store %arg17[%swap3A_803, %swap3A_804], %swap3A_807 {strides = array<i32>} : memref<40x128xf32, #tpu.memory_space<vmem>>, vector<1x16xf32>,
          %get3A_808 = arith.index_cast %scan3A_238 : i32 to index
          %get3A_809 = arith.constant 112 : index
          %get3A_810 = tpu.vector_load %arg14[%get3A_808, %get3A_809] {strides = array<i32>} : memref<40x256xf32, #tpu.memory_space<vmem>>, vector<1x16xf32>,
          %get3A_811 = vector.shape_cast %get3A_810 : vector<1x16xf32> to vector<16xf32>
          %get3A_812 = arith.index_cast %scan3A_238 : i32 to index
          %get3A_813 = arith.constant 112 : index
          %get3A_814 = tpu.vector_load %arg15[%get3A_812, %get3A_813] {strides = array<i32>} : memref<40x256xf32, #tpu.memory_space<vmem>>, vector<1x16xf32>,
          %get3A_815 = vector.shape_cast %get3A_814 : vector<1x16xf32> to vector<16xf32>
          %add3A_816 = arith.addf %get3A_811, %get3A_815 : vector<16xf32>
          %get3A_817 = arith.index_cast %scan3A_238 : i32 to index
          %get3A_818 = arith.constant 112 : index
          %get3A_819 = tpu.vector_load %arg16[%get3A_817, %get3A_818] {strides = array<i32>} : memref<40x256xf32, #tpu.memory_space<vmem>>, vector<1x16xf32>,
          %get3A_820 = vector.shape_cast %get3A_819 : vector<1x16xf32> to vector<16xf32>
          %add3A_821 = arith.addf %add3A_816, %get3A_820 : vector<16xf32>
          %get3A_822 = arith.index_cast %scan3A_238 : i32 to index
          %get3A_823 = arith.constant 240 : index
          %get3A_824 = tpu.vector_load %arg14[%get3A_822, %get3A_823] {strides = array<i32>} : memref<40x256xf32, #tpu.memory_space<vmem>>, vector<1x16xf32>,
          %get3A_825 = vector.shape_cast %get3A_824 : vector<1x16xf32> to vector<16xf32>
          %get3A_826 = arith.index_cast %scan3A_238 : i32 to index
          %get3A_827 = arith.constant 240 : index
          %get3A_828 = tpu.vector_load %arg15[%get3A_826, %get3A_827] {strides = array<i32>} : memref<40x256xf32, #tpu.memory_space<vmem>>, vector<1x16xf32>,
          %get3A_829 = vector.shape_cast %get3A_828 : vector<1x16xf32> to vector<16xf32>
          %add3A_830 = arith.addf %get3A_825, %get3A_829 : vector<16xf32>
          %get3A_831 = arith.index_cast %scan3A_238 : i32 to index
          %get3A_832 = arith.constant 240 : index
          %get3A_833 = tpu.vector_load %arg16[%get3A_831, %get3A_832] {strides = array<i32>} : memref<40x256xf32, #tpu.memory_space<vmem>>, vector<1x16xf32>,
          %get3A_834 = vector.shape_cast %get3A_833 : vector<1x16xf32> to vector<16xf32>
          %add3A_835 = arith.addf %add3A_830, %get3A_834 : vector<16xf32>
          %neg3A_836 = arith.constant 0.000000e+00 : f32
          %neg3A_837 = vector.broadcast %neg3A_836 : f32 to vector<16xf32>
          %neg3A_838 = arith.subf %neg3A_837, %add3A_821 : vector<16xf32>
          %exp3A_839 = math.exp %neg3A_838 : vector<16xf32>
          %add3A_840 = arith.constant 1.000000e+00 : f32
          %add3A_841 = vector.broadcast %add3A_840 : f32 to vector<16xf32>
          %add3A_842 = arith.addf %add3A_841, %exp3A_839 : vector<16xf32>
          %div3A_843 = arith.constant 1.000000e+00 : f32
          %div3A_844 = vector.broadcast %div3A_843 : f32 to vector<16xf32>
          %div3A_845 = arith.divf %div3A_844, %add3A_842 : vector<16xf32>
          %abs3A_846 = math.absf %add3A_835 : vector<16xf32>
          %neg3A_847 = arith.constant 0.000000e+00 : f32
          %neg3A_848 = vector.broadcast %neg3A_847 : f32 to vector<16xf32>
          %neg3A_849 = arith.subf %neg3A_848, %abs3A_846 : vector<16xf32>
          %exp3A_850 = math.exp %neg3A_849 : vector<16xf32>
          %add3A_851 = arith.constant 2.000000e+00 : f32
          %add3A_852 = vector.broadcast %add3A_851 : f32 to vector<16xf32>
          %add3A_853 = arith.addf %exp3A_850, %add3A_852 : vector<16xf32>
          %div3A_854 = arith.divf %exp3A_850, %add3A_853 : vector<16xf32>
          %mul3A_855 = arith.mulf %div3A_854, %div3A_854 : vector<16xf32>
          %mul3A_856 = arith.constant 0.222222224 : f32
          %mul3A_857 = vector.broadcast %mul3A_856 : f32 to vector<16xf32>
          %mul3A_858 = arith.mulf %mul3A_857, %mul3A_855 : vector<16xf32>
          %add3A_859 = arith.constant 0.285714298 : f32
          %add3A_860 = vector.broadcast %add3A_859 : f32 to vector<16xf32>
          %add3A_861 = arith.addf %mul3A_858, %add3A_860 : vector<16xf32>
          %mul3A_862 = arith.mulf %add3A_861, %mul3A_855 : vector<16xf32>
          %add3A_863 = arith.constant 4.000000e-01 : f32
          %add3A_864 = vector.broadcast %add3A_863 : f32 to vector<16xf32>
          %add3A_865 = arith.addf %mul3A_862, %add3A_864 : vector<16xf32>
          %mul3A_866 = arith.mulf %add3A_865, %mul3A_855 : vector<16xf32>
          %add3A_867 = arith.constant 0.666666686 : f32
          %add3A_868 = vector.broadcast %add3A_867 : f32 to vector<16xf32>
          %add3A_869 = arith.addf %mul3A_866, %add3A_868 : vector<16xf32>
          %mul3A_870 = arith.mulf %add3A_869, %mul3A_855 : vector<16xf32>
          %add3A_871 = arith.constant 2.000000e+00 : f32
          %add3A_872 = vector.broadcast %add3A_871 : f32 to vector<16xf32>
          %add3A_873 = arith.addf %mul3A_870, %add3A_872 : vector<16xf32>
          %mul3A_874 = arith.mulf %div3A_854, %add3A_873 : vector<16xf32>
          %max3A_875 = arith.constant 0.000000e+00 : f32
          %max3A_876 = vector.broadcast %max3A_875 : f32 to vector<16xf32>
          %max3A_877 = arith.maximumf %add3A_835, %max3A_876 : vector<16xf32>
          %add3A_878 = arith.addf %max3A_877, %mul3A_874 : vector<16xf32>
          %mul3A_879 = arith.mulf %div3A_845, %add3A_878 : vector<16xf32>
          %mul3A_880 = arith.mulf %mul3A_879, %gather3A_265 : vector<16xf32>
          %swap3A_881 = arith.index_cast %scan3A_238 : i32 to index
          %swap3A_882 = arith.constant 112 : index
          %swap3A_883 = tpu.vector_load %arg17[%swap3A_881, %swap3A_882] {strides = array<i32>} : memref<40x128xf32, #tpu.memory_space<vmem>>, vector<1x16xf32>,
          %swap3A_884 = vector.shape_cast %swap3A_883 : vector<1x16xf32> to vector<16xf32>
          %swap3A_885 = vector.shape_cast %mul3A_880 : vector<16xf32> to vector<1x16xf32>
          tpu.vector_store %arg17[%swap3A_881, %swap3A_882], %swap3A_885 {strides = array<i32>} : memref<40x128xf32, #tpu.memory_space<vmem>>, vector<1x16xf32>,
          %scan3A_886 = arith.constant 0 : i32
          scf.yield %scan3A_886 : i32
        }
        %scan3A_236 = arith.constant 40 : i32
        "tpu.region"() ({
          %run_scoped3A = tpu.sem_alloc : memref<!tpu.dma_semaphore, #tpu.memory_space<semaphore_mem>>
          %dma_start3A_238 = arith.constant 0 : i32
          %dma_start3A_239 = arith.constant 0 : i32
          %dma_start3A_240 = tpu.memref_slice %arg18[%dma_start3A_238, %dma_start3A_239] : memref<10240x128xf32, #tpu.memory_space<vmem_shared>> -> memref<10240x128xf32, #tpu.memory_space<vmem_shared>>
          tpu.enqueue_indirect_dma source(%arg17 : memref<40x128xf32, #tpu.memory_space<vmem>>) target(%dma_start3A_240 : memref<10240x128xf32, #tpu.memory_space<vmem_shared>>) offsets(%arg12 : memref<40xi32, #tpu.memory_space<vmem>>) semaphore(%run_scoped3A : memref<!tpu.dma_semaphore, #tpu.memory_space<semaphore_mem>>) {add = true}
          %dma_wait3A_241 = arith.constant 0 : i32
          %dma_wait3A_242 = arith.constant 0 : i32
          %dma_wait3A_243 = tpu.memref_slice %arg18[%dma_wait3A_241, %dma_wait3A_242] : memref<10240x128xf32, #tpu.memory_space<vmem_shared>> -> memref<10240x128xf32, #tpu.memory_space<vmem_shared>>
          tpu.wait_indirect_dma semaphore(%run_scoped3A : memref<!tpu.dma_semaphore, #tpu.memory_space<semaphore_mem>>) src(%arg17 : memref<40x128xf32, #tpu.memory_space<vmem>>) dst(%dma_wait3A_243 : memref<10240x128xf32, #tpu.memory_space<vmem_shared>>)
          tpu.yield
        }) : () -> ()
        %scan3A_237 = arith.constant 0 : i32
        scf.yield %scan3A_237 : i32
      }
      %scan3A_115 = arith.constant 10 : i32
      %scan3A_116 = arith.constant 0 : i32
      scf.yield %scan3A_116 : i32
    }
    %scan3A_79 = arith.constant 25 : i32
    %barrier3A_80 = arith.constant 0 : index
    tpu.barrier barrier_id(%barrier3A_80)
    %mul3A_81 = arith.constant 624 : i32
    %mul3A_82 = arith.muli %arg1, %mul3A_81 : i32
    %mul3A_83 = arith.constant 624 : i32
    %mul3A_84 = arith.muli %arg1, %mul3A_83 : i32
    "tpu.region"() ({
      %run_scoped3A = tpu.sem_alloc : memref<!tpu.dma_semaphore, #tpu.memory_space<semaphore_mem>>
      %dma_start3A = arith.constant 0 : i32
      %dma_start3A_87 = tpu.memref_slice %arg8[%arg0, %mul3A_84, %dma_start3A] : memref<2x10000x128xf32, #tpu.memory_space<hbm>> -> memref<1x624x128xf32, #tpu.memory_space<hbm>>
      %dma_start3A_88 = tpu.memref_squeeze %dma_start3A_87 : memref<1x624x128xf32, #tpu.memory_space<hbm>> -> memref<624x128xf32, #tpu.memory_space<hbm>>
      %dma_start3A_89 = arith.constant 0 : i32
      %dma_start3A_90 = tpu.memref_slice %arg18[%mul3A_82, %dma_start3A_89] : memref<10240x128xf32, #tpu.memory_space<vmem_shared>> -> memref<624x128xf32, #tpu.memory_space<vmem_shared>>
      tpu.enqueue_dma source(%dma_start3A_90 : memref<624x128xf32, #tpu.memory_space<vmem_shared>>) target(%dma_start3A_88 : memref<624x128xf32, #tpu.memory_space<hbm>>) target_semaphore(%run_scoped3A : memref<!tpu.dma_semaphore, #tpu.memory_space<semaphore_mem>>)
      %dma_wait3A = arith.constant 0 : i32
      %dma_wait3A_91 = tpu.memref_slice %arg8[%arg0, %mul3A_84, %dma_wait3A] : memref<2x10000x128xf32, #tpu.memory_space<hbm>> -> memref<1x624x128xf32, #tpu.memory_space<hbm>>
      %dma_wait3A_92 = tpu.memref_squeeze %dma_wait3A_91 : memref<1x624x128xf32, #tpu.memory_space<hbm>> -> memref<624x128xf32, #tpu.memory_space<hbm>>
      %dma_wait3A_93 = arith.constant 0 : i32
      %dma_wait3A_94 = tpu.memref_slice %arg18[%mul3A_82, %dma_wait3A_93] : memref<10240x128xf32, #tpu.memory_space<vmem_shared>> -> memref<624x128xf32, #tpu.memory_space<vmem_shared>>
      tpu.wait_dma2 semaphore(%run_scoped3A : memref<!tpu.dma_semaphore, #tpu.memory_space<semaphore_mem>>) src(%dma_wait3A_94 : memref<624x128xf32, #tpu.memory_space<vmem_shared>>) dst(%dma_wait3A_92 : memref<624x128xf32, #tpu.memory_space<hbm>>)
      tpu.yield
    }) : () -> ()
    %eq3A = arith.constant 0 : i32
    %eq3A_85 = arith.cmpi eq, %arg1, %eq3A : i32
    %convert_element_type3A = arith.extui %eq3A_85 : i1 to i32
    %cond3A = arith.constant 0 : i32
    %cond3A_86 = arith.cmpi ne, %convert_element_type3A, %cond3A : i32
    scf.if %cond3A_86 {
      "tpu.region"() ({
        %run_scoped3A = tpu.sem_alloc : memref<!tpu.dma_semaphore, #tpu.memory_space<semaphore_mem>>
        %dma_start3A = arith.constant 9984 : i32
        %dma_start3A_87 = arith.constant 0 : i32
        %dma_start3A_88 = tpu.memref_slice %arg8[%arg0, %dma_start3A, %dma_start3A_87] : memref<2x10000x128xf32, #tpu.memory_space<hbm>> -> memref<1x16x128xf32, #tpu.memory_space<hbm>>
        %dma_start3A_89 = tpu.memref_squeeze %dma_start3A_88 : memref<1x16x128xf32, #tpu.memory_space<hbm>> -> memref<16x128xf32, #tpu.memory_space<hbm>>
        %dma_start3A_90 = arith.constant 9984 : i32
        %dma_start3A_91 = arith.constant 0 : i32
        %dma_start3A_92 = tpu.memref_slice %arg18[%dma_start3A_90, %dma_start3A_91] : memref<10240x128xf32, #tpu.memory_space<vmem_shared>> -> memref<16x128xf32, #tpu.memory_space<vmem_shared>>
        tpu.enqueue_dma source(%dma_start3A_92 : memref<16x128xf32, #tpu.memory_space<vmem_shared>>) target(%dma_start3A_89 : memref<16x128xf32, #tpu.memory_space<hbm>>) target_semaphore(%run_scoped3A : memref<!tpu.dma_semaphore, #tpu.memory_space<semaphore_mem>>)
        %dma_wait3A = arith.constant 9984 : i32
        %dma_wait3A_93 = arith.constant 0 : i32
        %dma_wait3A_94 = tpu.memref_slice %arg8[%arg0, %dma_wait3A, %dma_wait3A_93] : memref<2x10000x128xf32, #tpu.memory_space<hbm>> -> memref<1x16x128xf32, #tpu.memory_space<hbm>>
        %dma_wait3A_95 = tpu.memref_squeeze %dma_wait3A_94 : memref<1x16x128xf32, #tpu.memory_space<hbm>> -> memref<16x128xf32, #tpu.memory_space<hbm>>
        %dma_wait3A_96 = arith.constant 9984 : i32
        %dma_wait3A_97 = arith.constant 0 : i32
        %dma_wait3A_98 = tpu.memref_slice %arg18[%dma_wait3A_96, %dma_wait3A_97] : memref<10240x128xf32, #tpu.memory_space<vmem_shared>> -> memref<16x128xf32, #tpu.memory_space<vmem_shared>>
        tpu.wait_dma2 semaphore(%run_scoped3A : memref<!tpu.dma_semaphore, #tpu.memory_space<semaphore_mem>>) src(%dma_wait3A_98 : memref<16x128xf32, #tpu.memory_space<vmem_shared>>) dst(%dma_wait3A_95 : memref<16x128xf32, #tpu.memory_space<hbm>>)
        tpu.yield
      }) : () -> ()
    } else {
    }
    return
  }
}

module attributes {stable_mosaic.version = 14 : i64} {
  func.func @_node_tables_body(%arg0: i32, %arg1: memref<1000x128xf32, #tpu.memory_space<vmem>>, %arg2: memref<128x256xf32, #tpu.memory_space<vmem>>, %arg3: memref<128x256xf32, #tpu.memory_space<vmem>>, %arg4: memref<1000x256xf32, #tpu.memory_space<vmem>>, %arg5: memref<1000x256xf32, #tpu.memory_space<vmem>>) attributes {dimension_semantics = [#tpu.dimension_semantics<arbitrary>], iteration_bounds = array<i64: 10>, scalar_prefetch = 0 : i64, scratch_operands = 0 : i64, tpu.core_type = #tpu.core_type<tc>, window_params = [{transform_indices = @transform_0, window_bounds = array<i64: 1000, 128>}, {pipeline_mode = #tpu.pipeline_mode<synchronous>, transform_indices = @transform_1, window_bounds = array<i64: 128, 256>}, {pipeline_mode = #tpu.pipeline_mode<synchronous>, transform_indices = @transform_2, window_bounds = array<i64: 128, 256>}, {transform_indices = @transform_3, window_bounds = array<i64: 1000, 256>}, {transform_indices = @transform_4, window_bounds = array<i64: 1000, 256>}]} {
    %get3A = arith.constant 0 : index
    %get3A_0 = arith.constant 0 : index
    %get3A_1 = vector.load %arg1[%get3A, %get3A_0] : memref<1000x128xf32, #tpu.memory_space<vmem>>, vector<1000x128xf32>
    %get3A_2 = arith.constant 0 : index
    %get3A_3 = arith.constant 0 : index
    %get3A_4 = vector.load %arg2[%get3A_2, %get3A_3] : memref<128x256xf32, #tpu.memory_space<vmem>>, vector<128x256xf32>
    %dot_general3A = arith.constant dense<0.000000e+00> : vector<1000x256xf32>
    %dot_general3A_5 = tpu.matmul %get3A_1, %get3A_4, %dot_general3A {dimension_numbers = #tpu.dot_dimension_numbers<[1], [0], [0], [1], [0, 0, 1, 1], [], []>, transpose_lhs_hint = false} : vector<1000x128xf32>, vector<128x256xf32>, vector<1000x256xf32> -> vector<1000x256xf32>
    %swap3A = arith.constant 0 : index
    %swap3A_6 = arith.constant 0 : index
    %swap3A_7 = vector.load %arg4[%swap3A, %swap3A_6] : memref<1000x256xf32, #tpu.memory_space<vmem>>, vector<1000x256xf32>
    tpu.vector_store %arg4[%swap3A, %swap3A_6], %dot_general3A_5 {strides = array<i32>} : memref<1000x256xf32, #tpu.memory_space<vmem>>, vector<1000x256xf32>,
    %get3A_8 = arith.constant 0 : index
    %get3A_9 = arith.constant 0 : index
    %get3A_10 = vector.load %arg3[%get3A_8, %get3A_9] : memref<128x256xf32, #tpu.memory_space<vmem>>, vector<128x256xf32>
    %dot_general3A_11 = arith.constant dense<0.000000e+00> : vector<1000x256xf32>
    %dot_general3A_12 = tpu.matmul %get3A_1, %get3A_10, %dot_general3A_11 {dimension_numbers = #tpu.dot_dimension_numbers<[1], [0], [0], [1], [0, 0, 1, 1], [], []>, transpose_lhs_hint = false} : vector<1000x128xf32>, vector<128x256xf32>, vector<1000x256xf32> -> vector<1000x256xf32>
    %swap3A_13 = arith.constant 0 : index
    %swap3A_14 = arith.constant 0 : index
    %swap3A_15 = vector.load %arg5[%swap3A_13, %swap3A_14] : memref<1000x256xf32, #tpu.memory_space<vmem>>, vector<1000x256xf32>
    tpu.vector_store %arg5[%swap3A_13, %swap3A_14], %dot_general3A_12 {strides = array<i32>} : memref<1000x256xf32, #tpu.memory_space<vmem>>, vector<1000x256xf32>,
    return
  }
  func.func @transform_0(%arg0: i32) -> (i32, i32) {
    %c0_i32 = arith.constant 0 : i32
    %c0_i32_0 = arith.constant 0 : i32
    return %arg0, %c0_i32 : i32, i32
  }
  func.func @transform_1(%arg0: i32) -> (i32, i32) {
    %c0_i32 = arith.constant 0 : i32
    %c0_i32_0 = arith.constant 0 : i32
    %c0_i32_1 = arith.constant 0 : i32
    return %c0_i32, %c0_i32_0 : i32, i32
  }
  func.func @transform_2(%arg0: i32) -> (i32, i32) {
    %c0_i32 = arith.constant 0 : i32
    %c0_i32_0 = arith.constant 0 : i32
    %c0_i32_1 = arith.constant 0 : i32
    return %c0_i32, %c0_i32_0 : i32, i32
  }
  func.func @transform_3(%arg0: i32) -> (i32, i32) {
    %c0_i32 = arith.constant 0 : i32
    %c0_i32_0 = arith.constant 0 : i32
    return %arg0, %c0_i32 : i32, i32
  }
  func.func @transform_4(%arg0: i32) -> (i32, i32) {
    %c0_i32 = arith.constant 0 : i32
    %c0_i32_0 = arith.constant 0 : i32
    return %arg0, %c0_i32 : i32, i32
  }
}

module attributes {stable_mosaic.version = 14 : i64} {
  func.func @_edge_table_body(%arg0: i32, %arg1: memref<2000x16xf32, #tpu.memory_space<vmem>>, %arg2: memref<16x256xf32, #tpu.memory_space<vmem>>, %arg3: memref<1x256xf32, #tpu.memory_space<vmem>>, %arg4: memref<2000x256xf32, #tpu.memory_space<vmem>>) attributes {dimension_semantics = [#tpu.dimension_semantics<arbitrary>], iteration_bounds = array<i64: 160>, scalar_prefetch = 0 : i64, scratch_operands = 0 : i64, tpu.core_type = #tpu.core_type<tc>, window_params = [{transform_indices = @transform_0, window_bounds = array<i64: 2000, 16>}, {pipeline_mode = #tpu.pipeline_mode<synchronous>, transform_indices = @transform_1, window_bounds = array<i64: 16, 256>}, {pipeline_mode = #tpu.pipeline_mode<synchronous>, transform_indices = @transform_2, window_bounds = array<i64: 1, 256>}, {transform_indices = @transform_3, window_bounds = array<i64: 2000, 256>}]} {
    %get3A = arith.constant 0 : index
    %get3A_0 = arith.constant 0 : index
    %get3A_1 = vector.load %arg1[%get3A, %get3A_0] : memref<2000x16xf32, #tpu.memory_space<vmem>>, vector<2000x16xf32>
    %get3A_2 = arith.constant 0 : index
    %get3A_3 = arith.constant 0 : index
    %get3A_4 = vector.load %arg2[%get3A_2, %get3A_3] : memref<16x256xf32, #tpu.memory_space<vmem>>, vector<16x256xf32>
    %dot_general3A = arith.constant dense<0.000000e+00> : vector<2000x256xf32>
    %dot_general3A_5 = tpu.matmul %get3A_1, %get3A_4, %dot_general3A {dimension_numbers = #tpu.dot_dimension_numbers<[1], [0], [0], [1], [0, 0, 1, 1], [], []>, transpose_lhs_hint = false} : vector<2000x16xf32>, vector<16x256xf32>, vector<2000x256xf32> -> vector<2000x256xf32>
    %get3A_6 = arith.constant 0 : index
    %get3A_7 = arith.constant 0 : index
    %get3A_8 = vector.load %arg3[%get3A_6, %get3A_7] : memref<1x256xf32, #tpu.memory_space<vmem>>, vector<1x256xf32>
    %add3A = vector.broadcast %get3A_8 : vector<1x256xf32> to vector<2000x256xf32>
    %add3A_9 = arith.addf %dot_general3A_5, %add3A : vector<2000x256xf32>
    %swap3A = arith.constant 0 : index
    %swap3A_10 = arith.constant 0 : index
    %swap3A_11 = vector.load %arg4[%swap3A, %swap3A_10] : memref<2000x256xf32, #tpu.memory_space<vmem>>, vector<2000x256xf32>
    tpu.vector_store %arg4[%swap3A, %swap3A_10], %add3A_9 {strides = array<i32>} : memref<2000x256xf32, #tpu.memory_space<vmem>>, vector<2000x256xf32>,
    return
  }
  func.func @transform_0(%arg0: i32) -> (i32, i32) {
    %c0_i32 = arith.constant 0 : i32
    %c0_i32_0 = arith.constant 0 : i32
    return %arg0, %c0_i32 : i32, i32
  }
  func.func @transform_1(%arg0: i32) -> (i32, i32) {
    %c0_i32 = arith.constant 0 : i32
    %c0_i32_0 = arith.constant 0 : i32
    %c0_i32_1 = arith.constant 0 : i32
    return %c0_i32, %c0_i32_0 : i32, i32
  }
  func.func @transform_2(%arg0: i32) -> (i32, i32) {
    %c0_i32 = arith.constant 0 : i32
    %c0_i32_0 = arith.constant 0 : i32
    %c0_i32_1 = arith.constant 0 : i32
    return %c0_i32, %c0_i32_0 : i32, i32
  }
  func.func @transform_3(%arg0: i32) -> (i32, i32) {
    %c0_i32 = arith.constant 0 : i32
    %c0_i32_0 = arith.constant 0 : i32
    return %arg0, %c0_i32 : i32, i32
  }
}

module attributes {stable_mosaic.version = 14 : i64} {
  func.func @_combine_body(%arg0: i32, %arg1: memref<2x1000x128xf32, #tpu.memory_space<vmem>>, %arg2: memref<1000x128xf32, #tpu.memory_space<vmem>>, %arg3: memref<1000x128xf32, #tpu.memory_space<vmem>>) attributes {dimension_semantics = [#tpu.dimension_semantics<arbitrary>], iteration_bounds = array<i64: 10>, scalar_prefetch = 0 : i64, scratch_operands = 0 : i64, tpu.core_type = #tpu.core_type<tc>, window_params = [{transform_indices = @transform_0, window_bounds = array<i64: 2, 1000, 128>}, {transform_indices = @transform_1, window_bounds = array<i64: 1000, 128>}, {transform_indices = @transform_2, window_bounds = array<i64: 1000, 128>}]} {
    %get3A = arith.constant 0 : index
    %get3A_0 = arith.constant 0 : index
    %get3A_1 = arith.constant 0 : index
    %get3A_2 = vector.load %arg1[%get3A, %get3A_0, %get3A_1] : memref<2x1000x128xf32, #tpu.memory_space<vmem>>, vector<1x1000x128xf32>
    %get3A_3 = vector.shape_cast %get3A_2 : vector<1x1000x128xf32> to vector<1000x128xf32>
    %get3A_4 = arith.constant 1 : index
    %get3A_5 = arith.constant 0 : index
    %get3A_6 = arith.constant 0 : index
    %get3A_7 = vector.load %arg1[%get3A_4, %get3A_5, %get3A_6] : memref<2x1000x128xf32, #tpu.memory_space<vmem>>, vector<1x1000x128xf32>
    %get3A_8 = vector.shape_cast %get3A_7 : vector<1x1000x128xf32> to vector<1000x128xf32>
    %add3A = arith.addf %get3A_3, %get3A_8 : vector<1000x128xf32>
    %get3A_9 = arith.constant 0 : index
    %get3A_10 = arith.constant 0 : index
    %get3A_11 = vector.load %arg2[%get3A_9, %get3A_10] : memref<1000x128xf32, #tpu.memory_space<vmem>>, vector<1000x128xf32>
    %add3A_12 = arith.addf %add3A, %get3A_11 : vector<1000x128xf32>
    %swap3A = arith.constant 0 : index
    %swap3A_13 = arith.constant 0 : index
    %swap3A_14 = vector.load %arg3[%swap3A, %swap3A_13] : memref<1000x128xf32, #tpu.memory_space<vmem>>, vector<1000x128xf32>
    tpu.vector_store %arg3[%swap3A, %swap3A_13], %add3A_12 {strides = array<i32>} : memref<1000x128xf32, #tpu.memory_space<vmem>>, vector<1000x128xf32>,
    return
  }
  func.func @transform_0(%arg0: i32) -> (i32, i32, i32) {
    %c0_i32 = arith.constant 0 : i32
    %c0_i32_0 = arith.constant 0 : i32
    %c0_i32_1 = arith.constant 0 : i32
    return %c0_i32, %arg0, %c0_i32_0 : i32, i32, i32
  }
  func.func @transform_1(%arg0: i32) -> (i32, i32) {
    %c0_i32 = arith.constant 0 : i32
    %c0_i32_0 = arith.constant 0 : i32
    return %arg0, %c0_i32 : i32, i32
  }
  func.func @transform_2(%arg0: i32) -> (i32, i32) {
    %c0_i32 = arith.constant 0 : i32
    %c0_i32_0 = arith.constant 0 : i32
    return %arg0, %c0_i32 : i32, i32
  }
}

</mosaic_0001>

<sc_bundles>
// kernel: kernel.6.cloned.1.call-start
scs
__scs_entry_jumppad:
0x0: {  	(pc) =	sbr.rel $0x88, $3  }
0x1: {  	(tag) =	ssettag $0x0;
	lr =	simm.s32 $0x1  }
0x2: {  	[smem:$0x3F99] =	sst lr;
	_ =	strace $0xD0000000  }
0x3: {  	_ = 	snop  }
0x4: {  	_ = 	snop  }
0x5: {  	_ = 	snop  }
0x6: {  	_ = 	snop  }
0x7: {  	_ = 	snop  }
__scs_overlays_trampoline_lowered:
0x8: {  	[smem:$0x3FA8] =	sst s0  }
0x9: {  	[smem:$0x3FA9] =	sst s1  }
0xa: {  	[smem:$0x3FAA] =	sst s2  }
0xb: {  	[smem:$0x3FAB] =	sst s3  }
0xc: {  	[smem:$0x3FAC] =	sst s4  }
0xd: {  	[smem:$0x3FAD] =	sst s5  }
0xe: {  	[smem:$0x3FAE] =	sst s6  }
0xf: {  	[smem:$0x3FAF] =	sst s7  }
0x10: {  	[smem:$0x3FB0] =	sst s8  }
0x11: {  	[smem:$0x3FB1] =	sst s9;
	s0 =	simm.s32 @!p0 $0x0  }
0x12: {  	s1 =	sld [smem:$0x3F97];
	s0 =	simm.s32 @p0 $0x1  }
0x13: {  	[smem:$0x3FB2] =	sst s0;
	s0 =	simm.s32 @!p1 $0x0  }
0x14: {  	s2 =	sld [smem:$0x3F96];
	s0 =	simm.s32 @p1 $0x1  }
0x15: {  	[smem:$0x3FB3] =	sst s0;
	s0 =	simm.s32 @!p2 $0x0  }
0x16: {  	s3 =	sld [smem:$0x3FDB];
	s0 =	simm.s32 @p2 $0x1  }
0x17: {  	s4 =	simm.s32 $0x1BF5;
	[smem:$0x3FB5] =	sst s0  }
0x18: {  	s0 =	sld [smem:$0x3F98];
	_ =	swait.ge [sflag:s4], $0x0  }
0x19: {  	s7 =	sld [smem:$0x3F99]  }
0x1a: {  	s8 =	sadd.s32 $0xFFFFE003, lr  }
0x1b: {  	s9 =	sadd.s32 $0xFFFFFEF7, lr;
	s5 =	simm.s32 $0xFFFFFFFF;
	p2 =	slt.u32 s8, $0xFFFFF086  }
0x1c: {  	p1 =	slt.u32 s9, $0xF7A;
	s5 =	simm.s32 @!p2 $0x0  }
0x1d: {  	s5 =	simm.s32 @p1 $0x1;
	p0 =	seq.s32 s7, s2  }
0x1e: {  	s7 =	smul.u32 @!p0 $0xF7A, s2;
	p2 =	seq.s32 @!p0 s5, $0x0  }
0x1f: {  	s9 =	smul.u32 $0xF7A, s1;
	s8 =	simm.s32 @!p0 $0x1BF5;
	p2 =	por !p2, p0  }
0x20: {  	[sflag:s8] =	ssyncset.s32 @!p0 $0xFFFFF086;
	s6 =	sadd.s32 @!p0 s3, s7;
	s7 =	simm.s32 @!p0 $0x108  }
0x21: {  	s3 =	sadd.s32 s3, s9;
	s6 =	sadd.s32 @!p0 $0x88, s6;
	s7 =	simm.s32 @p2 $0x1082  }
0x22: {  	[simem:s7], [sflag:s8] =	dma.local @!p0 [hbm:s6], $0xF7A  }
0x23: {  	s9 =	sor.u32 $0xD0000000, s2;
	s6 =	simm.s32 $0x108;
	_ =	swait.ge @!p0 [sflag:s8], $0x0  }
0x24: {  	s3 =	sadd.s32 $0x88, s3;
	s6 =	simm.s32 @!p1 $0x1082;
	[sflag:s4] =	ssyncset.s32 $0xFFFFF086  }
0x25: {  	[simem:s6], [sflag:s4] =	dma.local [hbm:s3], $0xF7A  }
0x26: {  	[smem:$0x3F99] =	sst s1;
	(tag) =	ssettag s2;
	_ =	strace s9  }
0x27: {  	s1 =	sld [smem:$0x3FA9]  }
0x28: {  	s2 =	sld [smem:$0x3FAA]  }
0x29: {  	s4 =	sld [smem:$0x3FAC]  }
0x2a: {  	p0 =	seq.s32 s5, $0x0;
	s5 =	sld [smem:$0x3FAD]  }
0x2b: {  	s6 =	sld [smem:$0x3FAE]  }
0x2c: {  	s7 =	sld [smem:$0x3FAF]  }
0x2d: {  	s3 =	simm.s32 $0x108;
	s8 =	sld [smem:$0x3FB0]  }
0x2e: {  	s3 =	simm.s32 @!p0 $0x1082;
	s9 =	sld [smem:$0x3FB1]  }
0x2f: {  	lr =	sadd.s32 s0, s3;
	s0 =	sld [smem:$0x3FA8]  }
0x30: {  	s3 =	sld [smem:$0x3FAB]  }
0x31: {  	[smem:$0x3FB4] =	sst s10  }
0x32: {  	s10 =	sld [smem:$0x3FB2];
	_ =	sdelay $0x3  }
0x33: {  	p0 =	seq.s32 s10, $0x1;
	s10 =	sld [smem:$0x3FB4];
	_ =	sdelay $0x3  }
0x34: {  	[smem:$0x3FB4] =	sst s10  }
0x35: {  	s10 =	sld [smem:$0x3FB3];
	_ =	sdelay $0x3  }
0x36: {  	p1 =	seq.s32 s10, $0x1;
	s10 =	sld [smem:$0x3FB4];
	_ =	sdelay $0x3  }
0x37: {  	[smem:$0x3FB4] =	sst s10  }
0x38: {  	s10 =	sld [smem:$0x3FB5]  }
0x39: {  	_ = 	snop;
	(pc) =	sbr.ind lr, $3  }
0x3a: {  	_ = 	snop  }
0x3b: {  	_ = 	snop  }
0x3c: {  	p2 =	seq.s32 s10, $0x1;
	s10 =	sld [smem:$0x3FB4]  }
0x3d: {  	_ =	shalt  }
0x3e: {  	_ =	shalt  }
0x3f: {  	_ =	shalt  }
0x40: {  	_ =	shalt  }
0x41: {  	_ =	shalt  }
0x42: {  	_ =	shalt  }
0x43: {  	_ =	shalt  }
0x44: {  	_ =	shalt  }
0x45: {  	_ =	shalt  }
0x46: {  	_ =	shalt  }
0x47: {  	_ =	shalt  }
0x48: {  	_ =	shalt  }
0x49: {  	_ =	shalt  }
0x4a: {  	_ =	shalt  }
0x4b: {  	_ =	shalt  }
0x4c: {  	_ =	shalt  }
0x4d: {  	_ =	shalt  }
0x4e: {  	_ =	shalt  }
0x4f: {  	_ =	shalt  }
0x50: {  	_ =	shalt  }
0x51: {  	_ =	shalt  }
0x52: {  	_ =	shalt  }
0x53: {  	_ =	shalt  }
0x54: {  	_ =	shalt  }
0x55: {  	_ =	shalt  }
0x56: {  	_ =	shalt  }
0x57: {  	_ =	shalt  }
0x58: {  	_ =	shalt  }
0x59: {  	_ =	shalt  }
0x5a: {  	_ =	shalt  }
0x5b: {  	_ =	shalt  }
0x5c: {  	_ =	shalt  }
0x5d: {  	_ =	shalt  }
0x5e: {  	_ =	shalt  }
0x5f: {  	_ =	shalt  }
0x60: {  	_ =	shalt  }
0x61: {  	_ =	shalt  }
0x62: {  	_ =	shalt  }
0x63: {  	_ =	shalt  }
0x64: {  	_ =	shalt  }
0x65: {  	_ =	shalt  }
0x66: {  	_ =	shalt  }
0x67: {  	_ =	shalt  }
0x68: {  	_ =	shalt  }
0x69: {  	_ =	shalt  }
0x6a: {  	_ =	shalt  }
0x6b: {  	_ =	shalt  }
0x6c: {  	_ =	shalt  }
0x6d: {  	_ =	shalt  }
0x6e: {  	_ =	shalt  }
0x6f: {  	_ =	shalt  }
0x70: {  	_ =	shalt  }
0x71: {  	_ =	shalt  }
0x72: {  	_ =	shalt  }
0x73: {  	_ =	shalt  }
0x74: {  	_ =	shalt  }
0x75: {  	_ =	shalt  }
0x76: {  	_ =	shalt  }
0x77: {  	_ =	shalt  }
0x78: {  	_ =	shalt  }
0x79: {  	_ =	shalt  }
0x7a: {  	_ =	shalt  }
0x7b: {  	_ =	shalt  }
0x7c: {  	_ =	shalt  }
0x7d: {  	_ =	shalt  }
0x7e: {  	_ =	shalt  }
0x7f: {  	_ =	shalt  }
0x80: {  	_ =	shalt  }
0x81: {  	_ =	shalt  }
0x82: {  	_ =	shalt  }
0x83: {  	_ =	shalt  }
0x84: {  	_ =	shalt  }
0x85: {  	_ =	shalt  }
0x86: {  	_ =	shalt  }
0x87: {  	_ =	shalt  }
.Lfunc_end0:
.L_simem_size_0:
called_computation_lowered:
.L_overlay_start_0:
0x88: {  	s2 =	sld [smem:$0x3FD9]  }
0x89: {  	s3 =	sld [smem:$0x3FFE];
	_ =	sdelay $0x1  }
0x8a: {  	s1 =	srdreg.scid  }
0x8b: {  	s0 =	sand.u32 $0x1, s1  }
0x8c: {  	s17 =	sshll.u32 s0, $0xA;
	s2 =	sadd.s32 s3, s2  }
0x8d: {  	s2 =	sadd.s32 s2, s17  }
0x8e: {  	[smem:$0x3FC0] =	sst s2  }
0x8f: {  	_ = 	snop  }
0x90: {  	s2 =	sld [smem:$0x3FC6]  }
0x91: {  	s18 =	sld [smem:$0x3FD0];
	(tm) =	ssettm $0x1  }
0x92: {  	s4 =	sld [smem:$0x3FFB];
	_ =	sdelay $0x3  }
0x93: {  	_ =	strace s4  }
0x94: {  	s4 =	sld [smem:$0x3FFC];
	_ =	sdelay $0x3  }
0x95: {  	_ =	strace s4  }
0x96: {  	s4 =	sld [smem:$0x3FFD];
	_ =	sdelay $0x3  }
0x97: {  	_ =	strace s4  }
0x98: {  	_ =	strace $0x8FFFFFFF  }
0x99: {  	s19 =	sld [smem:$0x3FDB];
	_ =	sdelay $0x1  }
0x9a: {  	s5 =	simm.s32 $_scs_section_size  }
0x9b: {  	s6 =	simm.s32 $_size__tile_overlayer_lowered;
	s7 =	simm.s32 $_tile_overlayer_lowered  }
0x9c: {  	s22 =	simm.s32 $0x1BFF;
	s21 =	sshll.u32 s7, $0x1;
	s4 =	sadd.s32 s5, s19  }
0x9d: {  	s8 =	simm.s32 $0x0;
	s20 =	sshll.u32 s6, $0x1;
	s6 =	sadd.s32 s21, s4  }
0x9e: {  	[timem:s8], [sflag:s22] =	dma.local [hbm:s6], s20  }
0x9f: {  	_ =	swait.ge [sflag:s22], s20  }
0xa0: {  	s5 =	ssub.s32 $0x0, s20;
	[sflag:s22] =	ssyncset.done $0x0  }
0xa1: {  	[sflag:s22] =	ssyncadd.s32 s5;
	_ =	sdelay $0x1  }
0xa2: {  	s23 =	simm.s32 $0x1B8B  }
0xa3: {  	_ =	swait.ge [sflag:s23], $0x1  }
0xa4: {  	[sflag:s23] =	ssyncset.done $0x0  }
0xa5: {  	s25 =	simm.s32 $0x1B8E;
	s24 =	sld [smem:$0x3FFE];
	[sflag:s23] =	ssyncadd.s32 $0xFFFFFFFF  }
0xa6: {  	s26 =	simm.s32 $execute0_lowered;
	[smem:$0x3FD2] =	sst s25  }
0xa7: {  	s6 =	sshll.u32 s26, $0x1;
	_ =	strace $0x80000046;
	[dreg:$0x1] =	wrdreg $0xFFFFFFFF  }
0xa8: {  	s28 =	simm.s32 $_size_execute0_lowered;
	s4 =	sadd.s32 s4, s6;
	[dreg:$0x0] =	wrdreg $0x0  }
0xa9: {  	s6 =	sshll.u32 s28, $0x1;
	[dreg:$0x2] =	wrdreg s4  }
0xaa: {  	[dreg:$0x3] =	wrdreg s6  }
0xab: {  	[dreg:$0x4] =	wrdreg $0xC0  }
0xac: {  	_ =	task [dreg:s8], $0x5FFFF  }
0xad: {  	[dreg:$0x1] =	wrdreg $0xFFFFFFFF  }
0xae: {  	[dreg:$0x0] =	wrdreg $0x60  }
0xaf: {  	[dreg:$0x2] =	wrdreg s24  }
0xb0: {  	[dreg:$0x3] =	wrdreg s18  }
0xb1: {  	[dreg:$0x4] =	wrdreg s2  }
0xb2: {  	[dreg:$0x5] =	wrdreg $0x93000  }
0xb3: {  	[dreg:$0x6] =	wrdreg $0x9  }
0xb4: {  	_ =	task.clear_ibuf [dreg:s8], $0x7FFFF;
	_ =	strace $0x90000046  }
0xb5: {  	s29 =	simm.s32 $0x9;
	_ =	strace $0x80000048  }
0xb6: {  	_ =	swait.ge [sflag:s29], $0x1  }
0xb7: {  	[sflag:s29] =	ssyncadd.s32 $0xFFFFFFFF  }
0xb8: {  	_ =	strace $0x90000048  }
0xb9: {  	_ =	sfence  }
0xba: {  	s30 =	sld [smem:$0x0];
	_ =	sdelay $0x2  }
0xbb: {  	s31 =	sshll.u32 s1, $0xD;
	s1 =	sshrl.u32 s1, $0x2  }
0xbc: {  	s3 =	sand.u32 $0x4000, s31;
	s1 =	sadd.s32 s1, s30  }
0xbd: {  	s0 =	sor.u32 s3, s0;
	s1 =	sshll.u32 s1, $0x11  }
0xbe: {  	s0 =	sor.u32 s1, s0  }
0xbf: {  	s0 =	sadd.s32 $0x8F2B, s0  }
0xc0: {  	[sflag:s0] =	ssyncadd.remote.s32 $0x1  }
0xc1: {  	_ =	sfence.sel $0xFFFF  }
0xc2: {  	[dreg:$0x0] =	wrdreg $0xFFFFFFFF;
	(pc) =	sbr.abs _section_cstart, $3  }
0xc3: {  	[dreg:$0x1] =	wrdreg $0xFFFFFFFF  }
0xc4: {  	_ =	task.clear_ibuf [dreg:s8], $0x2FFFF;
	_ =	strace $0x9FFFFFFF  }
0xc5: {  	(tm) =	ssettm $0x7FFFFFFF  }
tec
execute0_lowered:
.L_overlay_start_1:
0x0: {  	(tag) =	ssettag $0x1  }
0x1: {  	s0 =	rddreg [dreg:$0x0]  }
0x2: {  	s9 =	rddreg [dreg:$0x3];
	s11 =	simm.s32 $0x0;
	s10 =	stileid.u32  }
0x3: {  	s28 =	simm.s32 $0xF00;
	s29 =	simm.s32 $0x1700;
	s30 =	simm.s32 $0x1F00  }
0x4: {  	s31 =	simm.s32 $0x2700;
	[smem:$0x7FF] =	sst s11;
	s5 =	sadd.s32 $0x53BA00, s0  }
0x5: {  	s1 =	srdreg.scid;
	s6 =	sadd.s32 $0x4ED800, s0;
	s8 =	sadd.s32 $0x589C00, s0  }
0x6: {  	s2 =	smul.u32 $0x50000, s10;
	s3 =	sadd.s32 $0x4E3A00, s0;
	s1 =	sand.u32 $0x1, s1  }
0x7: {  	s0 =	sadd.s32 $0x1A00, s0;
	s26 =	smul.u32 $0x13800, s10;
	s4 =	sshll.u32 s1, $0x4  }
0x8: {  	_ =	strace $0x80000047;
	s2 =	sshrl.u32 s2, $0x2;
	s4 =	sor.u32 s10, s4  }
0x9: {  	[dreg:$0x6] =	wrdreg s3;
	s12 =	sadd.s32 s2, s9;
	s20 =	smul.u32 $0x2710, s4  }
0xa: {  	s15 =	smul.u32 $0x4E000, s10;
	p0 =	sne.s32 s10, $0x0;
	[dreg:$0x7] =	wrdreg s12  }
0xb: {  	s18 =	ssub.s32 $0x2, s1;
	s21 =	sadd.s32 $0x1400, s12;
	[dreg:$0x8] =	wrdreg s20  }
0xc: {  	s1 =	smul.u32 $0x138800, s1;
	s22 =	sadd.s32 $0x2800, s12;
	[dreg:$0x9] =	wrdreg s21  }
0xd: {  	s7 =	sshrl.u32 s18, $0x1;
	s23 =	sadd.s32 $0x3C00, s12;
	[dreg:$0xa] =	wrdreg s22  }
0xe: {  	s10 =	simm.s32 $0x3700;
	s24 =	sadd.s32 $0x5000, s12;
	[dreg:$0xb] =	wrdreg s23  }
0xf: {  	s19 =	ssub.s32 s18, s7;
	s25 =	sadd.s32 $0x6400, s12;
	[dreg:$0xc] =	wrdreg s24  }
0x10: {  	s3 =	sadd.s32 s26, s1;
	s13 =	sadd.s32 $0x7800, s12;
	[dreg:$0xd] =	wrdreg s25  }
0x11: {  	s4 =	sshrl.u32 s15, $0x2;
	s14 =	sadd.s32 $0x8C00, s12;
	[dreg:$0xe] =	wrdreg s13  }
0x12: {  	s1 =	sshrl.u32 s1, $0x3;
	s16 =	sadd.s32 $0xA000, s12;
	[dreg:$0xf] =	wrdreg s14  }
0x13: {  	s15 =	simm.s32 $0x1;
	s17 =	sadd.s32 $0xB400, s12;
	[dreg:$0x10] =	wrdreg s16  }
0x14: {  	s2 =	simm.s32 $0x4F00;
	s19 =	smax.u32 s19, $0x1;
	[dreg:$0x11] =	wrdreg s17  }
0x15: {  	s3 =	sshrl.u32 s3, $0x3;
	s26 =	sadd.s32 $0x12C00, s12;
	[dreg:$0x14] =	wrdreg s19  }
0x16: {  	s18 =	sadd.s32 s4, s9;
	s3 =	sadd.s32 s0, s3;
	[dreg:$0x1c] =	wrdreg s26  }
0x17: {  	s4 =	simm.s32 $0x3F00;
	s20 =	sshrl.u32 s18, $0x3;
	[dreg:$0x12] =	wrdreg s3  }
0x18: {  	s0 =	sadd.s32 s0, s1;
	s21 =	sadd.s32 $0xC800, s12;
	[dreg:$0x15] =	wrdreg s20  }
0x19: {  	s22 =	sadd.s32 $0xDC00, s12;
	s23 =	sadd.s32 $0xF000, s12;
	[dreg:$0x17] =	wrdreg s21  }
0x1a: {  	s24 =	sadd.s32 $0x10400, s12;
	s25 =	sadd.s32 $0x11800, s12;
	[dreg:$0x18] =	wrdreg s22  }
0x1b: {  	s12 =	simm.s32 $0x2;
	s16 =	simm.s32 $0x600;
	[dreg:$0x19] =	wrdreg s23  }
0x1c: {  	s26 =	simm.s32 $0x700;
	s1 =	simm.s32 $0x4700;
	[dreg:$0x1a] =	wrdreg s24  }
0x1d: {  	s13 =	simm.s32 $0x5700;
	s0 =	sadd.s32 $0x27000, s0;
	[dreg:$0x1b] =	wrdreg s25  }
0x1e: {  	v3 =	vlaneseq.u32;
	s14 =	simm.s32 $0x28;
	[dreg:$0x13] =	wrdreg s0;
	s0 =	sadd.s32 $0x138000, s9  }
0x1f: {  	v0 =	vimm.f32 $0.0e+00;
	vm0 =	vmmov $0xffff;
	v2 =	vshrl.u32 v3, $0x3;
	s24 =	simm.s32 $0x620;
	s25 =	simm.s32 $0x6A0;
	s0 =	sshrl.u32 @!p0 s0, $0x3  }
0x20: {  	v1 =	vand.u32 $0x7, v3;
	v3 =	vor.u32 $0x8, v3;
	v2 =	vmul.u32 $0x8, v2;
	s23 =	simm.s32 $0x7F00;
	[dreg:$0x16] =	wrdreg s0;
	s0 =	simm.s32 $0x2F00  }
.LBB2_1:
0x21: {  	[dreg:$0x5] =	wrdreg s11;
	s3 =	simm.s32 $0x0;
	s7 =	simm.s32 $0x200  }
.LBB2_2:
0x22: {  	p1 =	sne.s32 s7, $0x4E00;
	[tilespmem:s3+$0x7F70] =	vst v0  }
0x23: {  	[tilespmem:s3+$0x7F00] =	vst v0  }
0x24: {  	[tilespmem:s3+$0x7F10] =	vst v0  }
.Ltmp0:
0x25: {  	[tilespmem:s3+$0x7F20] =	vst v0;
	(pc) =	sbr.rel @p1 .LBB2_2-.Ltmp0, $4  }
0x26: {  	[tilespmem:s3+$0x7F30] =	vst v0  }
0x27: {  	[tilespmem:s3+$0x7F40] =	vst v0  }
0x28: {  	[tilespmem:s3+$0x7F50] =	vst v0  }
0x29: {  	[tilespmem:s3+$0x7F60] =	vst v0;
	s3 =	sshra.s32 s7, $0x2;
	s7 =	sadd.s32 $0x200, s7  }
0x2a: {  	[tilespmem:s3+$0x7F70] =	vst v0  }
0x2b: {  	[tilespmem:s3+$0x7F00] =	vst v0  }
0x2c: {  	[tilespmem:s3+$0x7F10] =	vst v0  }
0x2d: {  	[tilespmem:s3+$0x7F20] =	vst v0  }
0x2e: {  	[tilespmem:s3+$0x7F30] =	vst v0  }
0x2f: {  	[tilespmem:s3+$0x7F40] =	vst v0  }
0x30: {  	[tilespmem:s3+$0x7F50] =	vst v0  }
0x31: {  	[tilespmem:s3+$0x7F60] =	vst v0;
	s9 =	rddreg [dreg:$0x7];
	s7 =	simm.s32 $0x7F00  }
0x32: {  	[spmem:s9] =	stream.linear.scatter [tilespmem:s7], [sflag:$0x2], $0x1400, $0x38;
	[tilespmem:$0x1D300] =	vst v63  }
0x33: {  	_ =	swait.ge [sflag:s12], $0x1400  }
0x34: {  	[sflag:s12] =	ssyncset.done $0x0  }
0x35: {  	s11 =	rddreg [dreg:$0x9];
	[sflag:s12] =	ssyncadd.s32 $0xFFFFEC00  }
0x36: {  	[spmem:s11] =	stream.linear.scatter [tilespmem:s7], [sflag:$0x2], $0x1400, $0x38;
	[tilespmem:$0x1D300] =	vst v63  }
0x37: {  	_ =	swait.ge [sflag:s12], $0x1400  }
0x38: {  	[sflag:s12] =	ssyncset.done $0x0  }
0x39: {  	s17 =	rddreg [dreg:$0xa];
	[sflag:s12] =	ssyncadd.s32 $0xFFFFEC00  }
0x3a: {  	[spmem:s17] =	stream.linear.scatter [tilespmem:s7], [sflag:$0x2], $0x1400, $0x38;
	[tilespmem:$0x1D300] =	vst v63  }
0x3b: {  	_ =	swait.ge [sflag:s12], $0x1400  }
0x3c: {  	[sflag:s12] =	ssyncset.done $0x0  }
0x3d: {  	s18 =	rddreg [dreg:$0xb];
	[sflag:s12] =	ssyncadd.s32 $0xFFFFEC00  }
0x3e: {  	[spmem:s18] =	stream.linear.scatter [tilespmem:s7], [sflag:$0x2], $0x1400, $0x38;
	[tilespmem:$0x1D300] =	vst v63  }
0x3f: {  	_ =	swait.ge [sflag:s12], $0x1400  }
0x40: {  	[sflag:s12] =	ssyncset.done $0x0  }
0x41: {  	s19 =	rddreg [dreg:$0xc];
	[sflag:s12] =	ssyncadd.s32 $0xFFFFEC00  }
0x42: {  	[spmem:s19] =	stream.linear.scatter [tilespmem:s7], [sflag:$0x2], $0x1400, $0x38;
	[tilespmem:$0x1D300] =	vst v63  }
0x43: {  	_ =	swait.ge [sflag:s12], $0x1400  }
0x44: {  	[sflag:s12] =	ssyncset.done $0x0  }
0x45: {  	s20 =	rddreg [dreg:$0xd];
	[sflag:s12] =	ssyncadd.s32 $0xFFFFEC00  }
0x46: {  	[spmem:s20] =	stream.linear.scatter [tilespmem:s7], [sflag:$0x2], $0x1400, $0x38;
	[tilespmem:$0x1D300] =	vst v63  }
0x47: {  	_ =	swait.ge [sflag:s12], $0x1400  }
0x48: {  	[sflag:s12] =	ssyncset.done $0x0  }
0x49: {  	s21 =	rddreg [dreg:$0xe];
	[sflag:s12] =	ssyncadd.s32 $0xFFFFEC00  }
0x4a: {  	[spmem:s21] =	stream.linear.scatter [tilespmem:s7], [sflag:$0x2], $0x1400, $0x38;
	[tilespmem:$0x1D300] =	vst v63  }
0x4b: {  	_ =	swait.ge [sflag:s12], $0x1400  }
0x4c: {  	[sflag:s12] =	ssyncset.done $0x0  }
0x4d: {  	s22 =	rddreg [dreg:$0xf];
	[sflag:s12] =	ssyncadd.s32 $0xFFFFEC00  }
0x4e: {  	[spmem:s22] =	stream.linear.scatter [tilespmem:s7], [sflag:$0x2], $0x1400, $0x38;
	[tilespmem:$0x1D300] =	vst v63  }
0x4f: {  	_ =	swait.ge [sflag:s12], $0x1400  }
0x50: {  	[sflag:s12] =	ssyncset.done $0x0  }
0x51: {  	s9 =	rddreg [dreg:$0x10];
	[sflag:s12] =	ssyncadd.s32 $0xFFFFEC00  }
0x52: {  	[spmem:s9] =	stream.linear.scatter [tilespmem:s7], [sflag:$0x2], $0x1400, $0x38;
	[tilespmem:$0x1D300] =	vst v63  }
0x53: {  	_ =	swait.ge [sflag:s12], $0x1400  }
0x54: {  	[sflag:s12] =	ssyncset.done $0x0  }
0x55: {  	s11 =	rddreg [dreg:$0x11];
	[sflag:s12] =	ssyncadd.s32 $0xFFFFEC00  }
0x56: {  	[spmem:s11] =	stream.linear.scatter [tilespmem:s7], [sflag:$0x2], $0x1400, $0x38;
	[tilespmem:$0x1D300] =	vst v63  }
0x57: {  	_ =	swait.ge [sflag:s12], $0x1400  }
0x58: {  	[sflag:s12] =	ssyncset.done $0x0  }
0x59: {  	s17 =	rddreg [dreg:$0x17];
	[sflag:s12] =	ssyncadd.s32 $0xFFFFEC00  }
0x5a: {  	[spmem:s17] =	stream.linear.scatter [tilespmem:s7], [sflag:$0x2], $0x1400, $0x38;
	[tilespmem:$0x1D300] =	vst v63  }
0x5b: {  	_ =	swait.ge [sflag:s12], $0x1400  }
0x5c: {  	[sflag:s12] =	ssyncset.done $0x0  }
0x5d: {  	s18 =	rddreg [dreg:$0x18];
	[sflag:s12] =	ssyncadd.s32 $0xFFFFEC00  }
0x5e: {  	[spmem:s18] =	stream.linear.scatter [tilespmem:s7], [sflag:$0x2], $0x1400, $0x38;
	[tilespmem:$0x1D300] =	vst v63  }
0x5f: {  	_ =	swait.ge [sflag:s12], $0x1400  }
0x60: {  	[sflag:s12] =	ssyncset.done $0x0  }
0x61: {  	s19 =	rddreg [dreg:$0x19];
	[sflag:s12] =	ssyncadd.s32 $0xFFFFEC00  }
0x62: {  	[spmem:s19] =	stream.linear.scatter [tilespmem:s7], [sflag:$0x2], $0x1400, $0x38;
	[tilespmem:$0x1D300] =	vst v63  }
0x63: {  	_ =	swait.ge [sflag:s12], $0x1400  }
0x64: {  	[sflag:s12] =	ssyncset.done $0x0  }
0x65: {  	s20 =	rddreg [dreg:$0x1a];
	[sflag:s12] =	ssyncadd.s32 $0xFFFFEC00  }
0x66: {  	[spmem:s20] =	stream.linear.scatter [tilespmem:s7], [sflag:$0x2], $0x1400, $0x38;
	[tilespmem:$0x1D300] =	vst v63  }
0x67: {  	_ =	swait.ge [sflag:s12], $0x1400  }
0x68: {  	[sflag:s12] =	ssyncset.done $0x0  }
0x69: {  	s21 =	rddreg [dreg:$0x1b];
	[sflag:s12] =	ssyncadd.s32 $0xFFFFEC00  }
0x6a: {  	[spmem:s21] =	stream.linear.scatter [tilespmem:s7], [sflag:$0x2], $0x1400, $0x38;
	[tilespmem:$0x1D300] =	vst v63  }
0x6b: {  	_ =	swait.ge [sflag:s12], $0x1400  }
0x6c: {  	[sflag:s12] =	ssyncset.done $0x0  }
0x6d: {  	s22 =	rddreg [dreg:$0x1c];
	[sflag:s12] =	ssyncadd.s32 $0xFFFFEC00  }
0x6e: {  	[spmem:s22] =	stream.linear.scatter [tilespmem:s7], [sflag:$0x2], $0x1400, $0x38;
	[tilespmem:$0x1D300] =	vst v63  }
0x6f: {  	_ =	swait.ge [sflag:s12], $0x1400  }
0x70: {  	[sflag:s12] =	ssyncset.done $0x0  }
0x71: {  	[sflag:s12] =	ssyncadd.s32 $0xFFFFEC00  }
0x72: {  	s3 =	simm.s32 $0x0;
	[bflag:$0x0] =	sbarrier.arrive $0xFFFF  }
.LBB2_4:
0x73: {  	s18 =	smul.u32 $0x190, s3  }
0x74: {  	s7 =	rddreg [dreg:$0x8]  }
0x75: {  	[dreg:$0x1d] =	wrdreg s3;
	s9 =	sadd.s32 s7, s18  }
0x76: {  	s19 =	rddreg [dreg:$0x6];
	s3 =	sshrl.u32 s9, $0x3  }
0x77: {  	s17 =	simm.s32 $0x0;
	s20 =	rddreg [dreg:$0x1];
	s7 =	sadd.s32 s19, s3  }
0x78: {  	[tilespmem:s17], [sflag:$0x1] =	stream.linear.gather [hbm4b:s7+s17], $0x190, $0x38;
	[tilespmem:$0x1D300] =	vst v63  }
0x79: {  	s11 =	simm.s32 $0x200;
	s21 =	rddreg [dreg:$0x2];
	s7 =	sadd.s32 s20, s3  }
0x7a: {  	[tilespmem:s11], [sflag:$0x1] =	stream.linear.gather [hbm4b:s7+s17], $0x190, $0x38;
	[tilespmem:$0x1D300] =	vst v63  }
0x7b: {  	s22 =	simm.s32 $0x400;
	s3 =	sadd.s32 s21, s3  }
0x7c: {  	[tilespmem:s22], [sflag:$0x1] =	stream.linear.gather [hbm4b:s3+s17], $0x190, $0x38;
	[tilespmem:$0x1D300] =	vst v63  }
0x7d: {  	_ =	swait.ge [sflag:s15], $0x190  }
0x7e: {  	[sflag:s15] =	ssyncset.done $0x0  }
0x7f: {  	[sflag:s15] =	ssyncadd.s32 $0xFFFFFE70  }
0x80: {  	_ =	swait.ge [sflag:s15], $0x190  }
0x81: {  	[sflag:s15] =	ssyncset.done $0x0  }
0x82: {  	[sflag:s15] =	ssyncadd.s32 $0xFFFFFE70  }
0x83: {  	_ =	swait.ge [sflag:s15], $0x190  }
0x84: {  	[sflag:s15] =	ssyncset.done $0x0  }
0x85: {  	s7 =	simm.s32 $0x40;
	s3 =	simm.s32 $0x0;
	[sflag:s15] =	ssyncadd.s32 $0xFFFFFE70  }
.LBB2_5:
0x86: {  	p1 =	sne.s32 s7, $0x600;
	v4 =	vld [tilespmem:s3+$0x400];
	_ =	sdelay $0x4  }
0x87: {  	v4 =	vmul.f32 v4, v4;
	_ =	sdelay $0x1  }
0x88: {  	v4 =	vmul.f32 $-5.555555600e-02, v4;
	_ =	sdelay $0x1  }
0x89: {  	v4 =	vmul.f32 $1.442695020e+00, v4;
	_ =	sdelay $0x1  }
0x8a: {  	(erf) = vpow2.f32 v4;
	_ =	sdelay $0x5  }
.Ltmp1:
0x8b: {  	(pc) =	sbr.rel @p1 .LBB2_5-.Ltmp1, $3  }
0x8c: {  	_ =	sdelay $0x1  }
0x8d: {  	v4 =	vpop (erf)  }
0x8e: {  	[tilespmem:s3+$0x400] =	vst v4;
	s3 =	sshra.s32 s7, $0x2;
	s7 =	sadd.s32 $0x40, s7  }
0x8f: {  	v4 =	vld [tilespmem:s3+$0x400];
	_ =	sdelay $0x4  }
0x90: {  	v4 =	vmul.f32 v4, v4;
	_ =	sdelay $0x1  }
0x91: {  	v4 =	vmul.f32 $-5.555555600e-02, v4;
	_ =	sdelay $0x1  }
0x92: {  	v4 =	vmul.f32 $1.442695020e+00, v4;
	_ =	sdelay $0x1  }
0x93: {  	(erf) = vpow2.f32 v4;
	_ =	sdelay $0x8  }
0x94: {  	v4 =	vpop (erf)  }
0x95: {  	s11 =	simm.s32 $0x0;
	s20 =	simm.s32 $0x0;
	s17 =	simm.s32 $0x0;
	[tilespmem:s3+$0x400] =	vst v4  }
.LBB2_7:
0x96: {  	s3 =	smul.u32 $0x28, s17;
	_ =	sdelay $0x1  }
0x97: {  	v4 =	vld.msk [tilespmem:s3+$0x0], $0xff;
	_ =	sdelay $0x4  }
0x98: {  	[tilespmem:s16+$0x0] =	vst.msk $0xff, v4  }
0x99: {  	v4 =	vld.msk [tilespmem:s3+$0x200], $0xff;
	_ =	sdelay $0x3  }
0x9a: {  	s7 =	simm.s32 $0x680  }
0x9b: {  	[tilespmem:s7+$0x0] =	vst.msk $0xff, v4  }
0x9c: {  	v4 =	vld.msk [tilespmem:s3+$0x8], $0xff;
	_ =	sdelay $0x3  }
0x9d: {  	s21 =	simm.s32 $0x608  }
0x9e: {  	[tilespmem:s21+$0x0] =	vst.msk $0xff, v4  }
0x9f: {  	v4 =	vld.msk [tilespmem:s3+$0x208], $0xff;
	_ =	sdelay $0x3  }
0xa0: {  	s22 =	simm.s32 $0x688  }
0xa1: {  	[tilespmem:s22+$0x0] =	vst.msk $0xff, v4  }
0xa2: {  	v4 =	vld.msk [tilespmem:s3+$0x10], $0xff;
	_ =	sdelay $0x3  }
0xa3: {  	s18 =	simm.s32 $0x610  }
0xa4: {  	[tilespmem:s18+$0x0] =	vst.msk $0xff, v4  }
0xa5: {  	v4 =	vld.msk [tilespmem:s3+$0x210], $0xff;
	_ =	sdelay $0x3  }
0xa6: {  	s19 =	simm.s32 $0x690  }
0xa7: {  	[tilespmem:s19+$0x0] =	vst.msk $0xff, v4  }
0xa8: {  	v4 =	vld.msk [tilespmem:s3+$0x18], $0xff;
	_ =	sdelay $0x3  }
0xa9: {  	s21 =	simm.s32 $0x618  }
0xaa: {  	[tilespmem:s21+$0x0] =	vst.msk $0xff, v4  }
0xab: {  	v4 =	vld.msk [tilespmem:s3+$0x218], $0xff;
	_ =	sdelay $0x3  }
0xac: {  	s22 =	simm.s32 $0x698  }
0xad: {  	[tilespmem:s22+$0x0] =	vst.msk $0xff, v4  }
0xae: {  	v4 =	vld.msk [tilespmem:s3+$0x20], $0xff;
	_ =	sdelay $0x4  }
0xaf: {  	[tilespmem:s24+$0x0] =	vst.msk $0xff, v4  }
0xb0: {  	v4 =	vld.msk [tilespmem:s3+$0x220], $0xff;
	_ =	sdelay $0x4  }
0xb1: {  	[tilespmem:s25+$0x0] =	vst.msk $0xff, v4  }
0xb2: {  	v4 =	vld [tilespmem:$0x600];
	_ =	sdelay $0x4  }
0xb3: {  	v5 =	vshll.u32 v4, $0x1  }
0xb4: {  	v4 =	vand.u32 $0x7, v4;
	v5 =	vand.u32 $0xFFFFFFF0, v5  }
0xb5: {  	v4 =	vor.u32 v4, v5  }
0xb6: {  	v5 =	vperm.xlane v4, v1;
	_ =	sdelay $0x1  }
0xb7: {  	v4 =	vperm.xlane v4, v3;
	v5 =	vadd.s32 v2, v5;
	_ =	sdelay $0x1  }
0xb8: {  	v4 =	vadd.s32 v2, v4;
	_ =	sdelay $0x2  }
0xb9: {  	[tilespmem:s26], [sflag:$0x1] =	stream.indirect_vreg.gather [hbm4b:s5+s11], $0x80, v5, vm0, $0xb8;
	[tilespmem:$0x1D300] =	vst v63  }
0xba: {  	_ = 	snop  }
0xbb: {  	[tilespmem:s28], [sflag:$0x1] =	stream.indirect_vreg.gather [hbm4b:s5+s11], $0x80, v4, vm0, $0xb8;
	[tilespmem:$0x1D300] =	vst v63  }
0xbc: {  	v4 =	vld [tilespmem:$0x610];
	_ =	sdelay $0x4  }
0xbd: {  	v5 =	vshll.u32 v4, $0x1  }
0xbe: {  	v4 =	vand.u32 $0x7, v4;
	v5 =	vand.u32 $0xFFFFFFF0, v5  }
0xbf: {  	v4 =	vor.u32 v4, v5  }
0xc0: {  	v5 =	vperm.xlane v4, v1;
	_ =	sdelay $0x1  }
0xc1: {  	v4 =	vperm.xlane v4, v3;
	v5 =	vadd.s32 v2, v5;
	_ =	sdelay $0x1  }
0xc2: {  	v4 =	vadd.s32 v2, v4;
	_ =	sdelay $0x2  }
0xc3: {  	[tilespmem:s29], [sflag:$0x1] =	stream.indirect_vreg.gather [hbm4b:s5+s11], $0x80, v5, vm0, $0xb8;
	[tilespmem:$0x1D300] =	vst v63  }
0xc4: {  	_ = 	snop  }
0xc5: {  	[tilespmem:s30], [sflag:$0x1] =	stream.indirect_vreg.gather [hbm4b:s5+s11], $0x80, v4, vm0, $0xb8;
	[tilespmem:$0x1D300] =	vst v63  }
0xc6: {  	v4 =	vld.msk [tilespmem:$0x620], $0xff;
	_ =	sdelay $0x4  }
0xc7: {  	v5 =	vshll.u32 v4, $0x1  }
0xc8: {  	v4 =	vand.u32 $0x7, v4;
	v5 =	vand.u32 $0xFFFFFFF0, v5  }
0xc9: {  	v4 =	vor.u32 v4, v5  }
0xca: {  	v4 =	vperm.xlane v4, v1;
	_ =	sdelay $0x1  }
0xcb: {  	v4 =	vadd.s32 v2, v4;
	_ =	sdelay $0x4  }
0xcc: {  	[tilespmem:s31], [sflag:$0x1] =	stream.indirect_vreg.gather [hbm4b:s5+s11], $0x80, v4, vm0, $0xb8;
	[tilespmem:$0x1D300] =	vst v63  }
0xcd: {  	v4 =	vld [tilespmem:$0x680];
	_ =	sdelay $0x4  }
0xce: {  	v5 =	vshll.u32 v4, $0x1  }
0xcf: {  	v4 =	vand.u32 $0x7, v4;
	v5 =	vand.u32 $0xFFFFFFF0, v5  }
0xd0: {  	v4 =	vor.u32 v4, v5  }
0xd1: {  	v5 =	vperm.xlane v4, v1;
	_ =	sdelay $0x1  }
0xd2: {  	v4 =	vperm.xlane v4, v3;
	v5 =	vadd.s32 v2, v5;
	_ =	sdelay $0x1  }
0xd3: {  	v4 =	vadd.s32 v2, v4;
	_ =	sdelay $0x2  }
0xd4: {  	[tilespmem:s0], [sflag:$0x1] =	stream.indirect_vreg.gather [hbm4b:s6+s11], $0x80, v5, vm0, $0xb8;
	[tilespmem:$0x1D300] =	vst v63  }
0xd5: {  	_ = 	snop  }
0xd6: {  	[tilespmem:s10], [sflag:$0x1] =	stream.indirect_vreg.gather [hbm4b:s6+s11], $0x80, v4, vm0, $0xb8;
	[tilespmem:$0x1D300] =	vst v63  }
0xd7: {  	v4 =	vld [tilespmem:$0x690];
	_ =	sdelay $0x4  }
0xd8: {  	v5 =	vshll.u32 v4, $0x1  }
0xd9: {  	v4 =	vand.u32 $0x7, v4;
	v5 =	vand.u32 $0xFFFFFFF0, v5  }
0xda: {  	v4 =	vor.u32 v4, v5  }
0xdb: {  	v5 =	vperm.xlane v4, v1;
	_ =	sdelay $0x1  }
0xdc: {  	v4 =	vperm.xlane v4, v3;
	v5 =	vadd.s32 v2, v5;
	_ =	sdelay $0x1  }
0xdd: {  	v4 =	vadd.s32 v2, v4;
	_ =	sdelay $0x2  }
0xde: {  	[tilespmem:s4], [sflag:$0x1] =	stream.indirect_vreg.gather [hbm4b:s6+s11], $0x80, v5, vm0, $0xb8;
	[tilespmem:$0x1D300] =	vst v63  }
0xdf: {  	_ = 	snop  }
0xe0: {  	[tilespmem:s1], [sflag:$0x1] =	stream.indirect_vreg.gather [hbm4b:s6+s11], $0x80, v4, vm0, $0xb8;
	[tilespmem:$0x1D300] =	vst v63  }
0xe1: {  	v4 =	vld.msk [tilespmem:$0x6A0], $0xff;
	_ =	sdelay $0x4  }
0xe2: {  	v5 =	vshll.u32 v4, $0x1  }
0xe3: {  	v4 =	vand.u32 $0x7, v4;
	v5 =	vand.u32 $0xFFFFFFF0, v5  }
0xe4: {  	v4 =	vor.u32 v4, v5  }
0xe5: {  	v4 =	vperm.xlane v4, v1;
	_ =	sdelay $0x1  }
0xe6: {  	v4 =	vadd.s32 v2, v4;
	_ =	sdelay $0x2  }
0xe7: {  	s3 =	sadd.s32 s9, s3  }
0xe8: {  	s3 =	sshll.u32 s3, $0x5  }
0xe9: {  	[tilespmem:s2], [sflag:$0x1] =	stream.indirect_vreg.gather [hbm4b:s6+s11], $0x80, v4, vm0, $0xb8;
	[tilespmem:$0x1D300] =	vst v63  }
0xea: {  	s3 =	sadd.s32 s8, s3  }
0xeb: {  	[tilespmem:s13], [sflag:$0x1] =	stream.linear.gather [hbm4b:s3+s11], $0x2800, $0x38;
	[tilespmem:$0x1D300] =	vst v63  }
0xec: {  	_ =	swait.ge [sflag:s15], $0x2800  }
0xed: {  	[sflag:s15] =	ssyncset.done $0x0  }
0xee: {  	[sflag:s15] =	ssyncadd.s32 $0xFFFFD800  }
0xef: {  	_ =	swait.ge [sflag:s15], $0x2800  }
0xf0: {  	[sflag:s15] =	ssyncset.done $0x0  }
0xf1: {  	[sflag:s15] =	ssyncadd.s32 $0xFFFFD800  }
0xf2: {  	_ =	swait.ge [sflag:s15], $0x2800  }
0xf3: {  	s18 =	simm.s32 $0x7F40;
	s19 =	simm.s32 $0x0;
	[sflag:s15] =	ssyncset.done $0x0  }
0xf4: {  	s21 =	simm.s32 $0x0;
	s3 =	smov.u32 s20;
	[sflag:s15] =	ssyncadd.s32 $0xFFFFD800  }
.LBB2_8:
0xf5: {  	s7 =	sand.u32 $0x3800, s21;
	s22 =	sand.u32 $0x380, s19  }
0xf6: {  	s7 =	sor.u32 s22, s7  }
0xf7: {  	v4 =	vld [tilespmem:s7+$0x700]  }
0xf8: {  	v5 =	vld [tilespmem:s7+$0x2F00];
	_ =	sdelay $0x1  }
0xf9: {  	v6 =	vld [tilespmem:s7+$0x5700];
	_ =	sdelay $0x2  }
0xfa: {  	v4 =	vadd.f32 v5, v4;
	_ =	sdelay $0x1  }
0xfb: {  	v4 =	vadd.f32 v6, v4;
	_ =	sdelay $0x1  }
0xfc: {  	v4 =	vsub.f32 $0.0e+00, v4;
	_ =	sdelay $0x1  }
0xfd: {  	v52 =	vld [tilespmem:s7+$0x3300];
	v4 =	vmul.f32 $1.442695020e+00, v4  }
0xfe: {  	v5 =	vld [tilespmem:s7+$0xB00]  }
0xff: {  	(erf) = vpow2.f32 v4  }
0x100: {  	v4 =	vld [tilespmem:s7+$0x5B00];
	_ =	sdelay $0x2  }
0x101: {  	v5 =	vadd.f32 v52, v5;
	_ =	sdelay $0x1  }
0x102: {  	v4 =	vadd.f32 v4, v5;
	_ =	sdelay $0x1  }
0x103: {  	v5 =	vand.u32 $0x7FFFFFFF, v4  }
0x104: {  	v5 =	vsub.f32 $0.0e+00, v5;
	v53 =	vpop (erf)  }
0x105: {  	v6 =	vadd.f32 $1.000000000e+00, v53  }
0x106: {  	v5 =	vmul.f32 $1.442695020e+00, v5  }
0x107: {  	(erf) = vrcp.f32 v6  }
0x108: {  	(erf) = vpow2.f32 v5;
	_ =	sdelay $0x7  }
0x109: {  	v5 =	vpop (erf)  }
0x10a: {  	v54 =	vpop (erf)  }
0x10b: {  	v7 =	vadd.f32 $2.000000000e+00, v54;
	_ =	sdelay $0x1  }
0x10c: {  	(erf) = vrcp.f32 v7;
	_ =	sdelay $0x8  }
0x10d: {  	v7 =	vpop (erf)  }
0x10e: {  	v6 =	vmul.f32 v7, v54;
	_ =	sdelay $0x1  }
0x10f: {  	v7 =	vmul.f32 v6, v6;
	_ =	sdelay $0x1  }
0x110: {  	v8 =	vmul.f32 $2.222222240e-01, v7;
	_ =	sdelay $0x1  }
0x111: {  	v8 =	vadd.f32 $2.857142980e-01, v8;
	_ =	sdelay $0x1  }
0x112: {  	v8 =	vmul.f32 v8, v7;
	_ =	sdelay $0x1  }
0x113: {  	v8 =	vadd.f32 $4.000000060e-01, v8;
	_ =	sdelay $0x1  }
0x114: {  	v8 =	vmul.f32 v8, v7;
	_ =	sdelay $0x1  }
0x115: {  	v8 =	vadd.f32 $6.666666860e-01, v8;
	_ =	sdelay $0x1  }
0x116: {  	v7 =	vmul.f32 v8, v7;
	_ =	sdelay $0x1  }
0x117: {  	s22 =	sand.u32 $0x7F0, s3;
	v7 =	vadd.f32 $2.000000000e+00, v7  }
0x118: {  	v55 =	vld [tilespmem:s22+$0x400]  }
0x119: {  	v6 =	vmul.f32 v7, v6  }
0x11a: {  	v4 =	vmax.f32 v4, $0.0e+00  }
0x11b: {  	v6 =	vadd.f32 v6, v4  }
0x11c: {  	v4 =	vmov s3  }
0x11d: {  	v4 =	vperm.xlane v55, v4;
	v5 =	vmul.f32 v6, v5;
	_ =	sdelay $0x1  }
0x11e: {  	v5 =	vmul.f32 v5, v4;
	_ =	sdelay $0x1  }
0x11f: {  	[tilespmem:s18+$0xFFFFFFC0] =	vst v5  }
0x120: {  	v5 =	vld [tilespmem:s7+$0x710]  }
0x121: {  	v56 =	vld [tilespmem:s7+$0x2F10];
	_ =	sdelay $0x1  }
0x122: {  	v57 =	vld [tilespmem:s7+$0x5710];
	_ =	sdelay $0x2  }
0x123: {  	v5 =	vadd.f32 v56, v5;
	_ =	sdelay $0x1  }
0x124: {  	v5 =	vadd.f32 v57, v5;
	_ =	sdelay $0x1  }
0x125: {  	v5 =	vsub.f32 $0.0e+00, v5;
	_ =	sdelay $0x1  }
0x126: {  	v58 =	vld [tilespmem:s7+$0xB10];
	v5 =	vmul.f32 $1.442695020e+00, v5  }
0x127: {  	v59 =	vld [tilespmem:s7+$0x3310]  }
0x128: {  	(erf) = vpow2.f32 v5  }
0x129: {  	v5 =	vld [tilespmem:s7+$0x5B10];
	_ =	sdelay $0x2  }
0x12a: {  	v6 =	vadd.f32 v59, v58;
	_ =	sdelay $0x1  }
0x12b: {  	v5 =	vadd.f32 v5, v6;
	_ =	sdelay $0x1  }
0x12c: {  	v6 =	vand.u32 $0x7FFFFFFF, v5  }
0x12d: {  	v6 =	vsub.f32 $0.0e+00, v6;
	v60 =	vpop (erf)  }
0x12e: {  	v7 =	vadd.f32 $1.000000000e+00, v60  }
0x12f: {  	v6 =	vmul.f32 $1.442695020e+00, v6  }
0x130: {  	(erf) = vrcp.f32 v7  }
0x131: {  	(erf) = vpow2.f32 v6;
	_ =	sdelay $0x7  }
0x132: {  	v61 =	vpop (erf)  }
0x133: {  	v62 =	vpop (erf)  }
0x134: {  	v63 =	vadd.f32 $2.000000000e+00, v62;
	_ =	sdelay $0x1  }
0x135: {  	(erf) = vrcp.f32 v63;
	_ =	sdelay $0x8  }
0x136: {  	v8 =	vpop (erf)  }
0x137: {  	v7 =	vmul.f32 v8, v62;
	_ =	sdelay $0x1  }
0x138: {  	v8 =	vmul.f32 v7, v7;
	_ =	sdelay $0x1  }
0x139: {  	v9 =	vmul.f32 $2.222222240e-01, v8;
	_ =	sdelay $0x1  }
0x13a: {  	v9 =	vadd.f32 $2.857142980e-01, v9;
	_ =	sdelay $0x1  }
0x13b: {  	v9 =	vmul.f32 v9, v8;
	_ =	sdelay $0x1  }
0x13c: {  	v9 =	vadd.f32 $4.000000060e-01, v9;
	_ =	sdelay $0x1  }
0x13d: {  	v9 =	vmul.f32 v9, v8;
	_ =	sdelay $0x1  }
0x13e: {  	v9 =	vadd.f32 $6.666666860e-01, v9;
	_ =	sdelay $0x1  }
0x13f: {  	v8 =	vmul.f32 v9, v8;
	_ =	sdelay $0x1  }
0x140: {  	v8 =	vadd.f32 $2.000000000e+00, v8;
	_ =	sdelay $0x1  }
0x141: {  	v7 =	vmul.f32 v8, v7  }
0x142: {  	v5 =	vmax.f32 v5, $0.0e+00  }
0x143: {  	v5 =	vadd.f32 v7, v5;
	_ =	sdelay $0x1  }
0x144: {  	v5 =	vmul.f32 v5, v61;
	_ =	sdelay $0x1  }
0x145: {  	v5 =	vmul.f32 v5, v4;
	_ =	sdelay $0x1  }
0x146: {  	[tilespmem:s18+$0xFFFFFFD0] =	vst v5  }
0x147: {  	v5 =	vld [tilespmem:s7+$0x720]  }
0x148: {  	v10 =	vld [tilespmem:s7+$0x2F20];
	_ =	sdelay $0x1  }
0x149: {  	v11 =	vld [tilespmem:s7+$0x5720];
	_ =	sdelay $0x2  }
0x14a: {  	v5 =	vadd.f32 v10, v5;
	_ =	sdelay $0x1  }
0x14b: {  	v5 =	vadd.f32 v11, v5;
	_ =	sdelay $0x1  }
0x14c: {  	v5 =	vsub.f32 $0.0e+00, v5;
	_ =	sdelay $0x1  }
0x14d: {  	v12 =	vld [tilespmem:s7+$0xB20];
	v5 =	vmul.f32 $1.442695020e+00, v5  }
0x14e: {  	v13 =	vld [tilespmem:s7+$0x3320]  }
0x14f: {  	(erf) = vpow2.f32 v5  }
0x150: {  	v5 =	vld [tilespmem:s7+$0x5B20];
	_ =	sdelay $0x2  }
0x151: {  	v6 =	vadd.f32 v13, v12;
	_ =	sdelay $0x1  }
0x152: {  	v5 =	vadd.f32 v5, v6;
	_ =	sdelay $0x1  }
0x153: {  	v6 =	vand.u32 $0x7FFFFFFF, v5  }
0x154: {  	v6 =	vsub.f32 $0.0e+00, v6;
	v14 =	vpop (erf)  }
0x155: {  	v7 =	vadd.f32 $1.000000000e+00, v14  }
0x156: {  	v6 =	vmul.f32 $1.442695020e+00, v6  }
0x157: {  	(erf) = vrcp.f32 v7  }
0x158: {  	(erf) = vpow2.f32 v6;
	_ =	sdelay $0x7  }
0x159: {  	v15 =	vpop (erf)  }
0x15a: {  	v16 =	vpop (erf)  }
0x15b: {  	v17 =	vadd.f32 $2.000000000e+00, v16;
	_ =	sdelay $0x1  }
0x15c: {  	(erf) = vrcp.f32 v17;
	_ =	sdelay $0x8  }
0x15d: {  	v8 =	vpop (erf)  }
0x15e: {  	v7 =	vmul.f32 v8, v16;
	_ =	sdelay $0x1  }
0x15f: {  	v8 =	vmul.f32 v7, v7;
	_ =	sdelay $0x1  }
0x160: {  	v18 =	vmul.f32 $2.222222240e-01, v8;
	_ =	sdelay $0x1  }
0x161: {  	v9 =	vadd.f32 $2.857142980e-01, v18;
	_ =	sdelay $0x1  }
0x162: {  	v9 =	vmul.f32 v9, v8;
	_ =	sdelay $0x1  }
0x163: {  	v9 =	vadd.f32 $4.000000060e-01, v9;
	_ =	sdelay $0x1  }
0x164: {  	v9 =	vmul.f32 v9, v8;
	_ =	sdelay $0x1  }
0x165: {  	v9 =	vadd.f32 $6.666666860e-01, v9;
	_ =	sdelay $0x1  }
0x166: {  	v8 =	vmul.f32 v9, v8;
	_ =	sdelay $0x1  }
0x167: {  	v8 =	vadd.f32 $2.000000000e+00, v8;
	_ =	sdelay $0x1  }
0x168: {  	v7 =	vmul.f32 v8, v7  }
0x169: {  	v5 =	vmax.f32 v5, $0.0e+00  }
0x16a: {  	v5 =	vadd.f32 v7, v5;
	_ =	sdelay $0x1  }
0x16b: {  	v5 =	vmul.f32 v5, v15;
	_ =	sdelay $0x1  }
0x16c: {  	v5 =	vmul.f32 v5, v4;
	_ =	sdelay $0x1  }
0x16d: {  	[tilespmem:s18+$0xFFFFFFE0] =	vst v5  }
0x16e: {  	v5 =	vld [tilespmem:s7+$0x730]  }
0x16f: {  	v19 =	vld [tilespmem:s7+$0x2F30];
	_ =	sdelay $0x1  }
0x170: {  	v20 =	vld [tilespmem:s7+$0x5730];
	_ =	sdelay $0x2  }
0x171: {  	v5 =	vadd.f32 v19, v5;
	_ =	sdelay $0x1  }
0x172: {  	v5 =	vadd.f32 v20, v5;
	_ =	sdelay $0x1  }
0x173: {  	v5 =	vsub.f32 $0.0e+00, v5;
	_ =	sdelay $0x1  }
0x174: {  	v21 =	vld [tilespmem:s7+$0xB30];
	v5 =	vmul.f32 $1.442695020e+00, v5  }
0x175: {  	v22 =	vld [tilespmem:s7+$0x3330]  }
0x176: {  	(erf) = vpow2.f32 v5  }
0x177: {  	v5 =	vld [tilespmem:s7+$0x5B30];
	_ =	sdelay $0x2  }
0x178: {  	v6 =	vadd.f32 v22, v21;
	_ =	sdelay $0x1  }
0x179: {  	v5 =	vadd.f32 v5, v6;
	_ =	sdelay $0x1  }
0x17a: {  	v6 =	vand.u32 $0x7FFFFFFF, v5  }
0x17b: {  	v6 =	vsub.f32 $0.0e+00, v6;
	v23 =	vpop (erf)  }
0x17c: {  	v7 =	vadd.f32 $1.000000000e+00, v23  }
0x17d: {  	v6 =	vmul.f32 $1.442695020e+00, v6  }
0x17e: {  	(erf) = vrcp.f32 v7  }
0x17f: {  	(erf) = vpow2.f32 v6;
	_ =	sdelay $0x7  }
0x180: {  	v24 =	vpop (erf)  }
0x181: {  	v25 =	vpop (erf)  }
0x182: {  	v26 =	vadd.f32 $2.000000000e+00, v25;
	_ =	sdelay $0x1  }
0x183: {  	(erf) = vrcp.f32 v26;
	_ =	sdelay $0x8  }
0x184: {  	v8 =	vpop (erf)  }
0x185: {  	v7 =	vmul.f32 v8, v25;
	_ =	sdelay $0x1  }
0x186: {  	v8 =	vmul.f32 v7, v7;
	_ =	sdelay $0x1  }
0x187: {  	v27 =	vmul.f32 $2.222222240e-01, v8;
	_ =	sdelay $0x1  }
0x188: {  	v9 =	vadd.f32 $2.857142980e-01, v27;
	_ =	sdelay $0x1  }
0x189: {  	v9 =	vmul.f32 v9, v8;
	_ =	sdelay $0x1  }
0x18a: {  	v9 =	vadd.f32 $4.000000060e-01, v9;
	_ =	sdelay $0x1  }
0x18b: {  	v9 =	vmul.f32 v9, v8;
	_ =	sdelay $0x1  }
0x18c: {  	v9 =	vadd.f32 $6.666666860e-01, v9;
	_ =	sdelay $0x1  }
0x18d: {  	v8 =	vmul.f32 v9, v8;
	_ =	sdelay $0x1  }
0x18e: {  	v8 =	vadd.f32 $2.000000000e+00, v8;
	_ =	sdelay $0x1  }
0x18f: {  	v7 =	vmul.f32 v8, v7  }
0x190: {  	v5 =	vmax.f32 v5, $0.0e+00  }
0x191: {  	v5 =	vadd.f32 v7, v5;
	_ =	sdelay $0x1  }
0x192: {  	v5 =	vmul.f32 v5, v24;
	_ =	sdelay $0x1  }
0x193: {  	v5 =	vmul.f32 v5, v4;
	_ =	sdelay $0x1  }
0x194: {  	[tilespmem:s18+$0xFFFFFFF0] =	vst v5  }
0x195: {  	v5 =	vld [tilespmem:s7+$0x740]  }
0x196: {  	v28 =	vld [tilespmem:s7+$0x2F40];
	_ =	sdelay $0x1  }
0x197: {  	v29 =	vld [tilespmem:s7+$0x5740];
	_ =	sdelay $0x2  }
0x198: {  	v5 =	vadd.f32 v28, v5;
	_ =	sdelay $0x1  }
0x199: {  	v5 =	vadd.f32 v29, v5;
	_ =	sdelay $0x1  }
0x19a: {  	v5 =	vsub.f32 $0.0e+00, v5;
	_ =	sdelay $0x1  }
0x19b: {  	v30 =	vld [tilespmem:s7+$0xB40];
	v5 =	vmul.f32 $1.442695020e+00, v5  }
0x19c: {  	v31 =	vld [tilespmem:s7+$0x3340]  }
0x19d: {  	(erf) = vpow2.f32 v5  }
0x19e: {  	v5 =	vld [tilespmem:s7+$0x5B40];
	_ =	sdelay $0x2  }
0x19f: {  	v6 =	vadd.f32 v31, v30;
	_ =	sdelay $0x1  }
0x1a0: {  	v5 =	vadd.f32 v5, v6;
	_ =	sdelay $0x1  }
0x1a1: {  	v6 =	vand.u32 $0x7FFFFFFF, v5  }
0x1a2: {  	v6 =	vsub.f32 $0.0e+00, v6;
	v32 =	vpop (erf)  }
0x1a3: {  	v7 =	vadd.f32 $1.000000000e+00, v32  }
0x1a4: {  	v6 =	vmul.f32 $1.442695020e+00, v6  }
0x1a5: {  	(erf) = vrcp.f32 v7  }
0x1a6: {  	(erf) = vpow2.f32 v6;
	_ =	sdelay $0x7  }
0x1a7: {  	v33 =	vpop (erf)  }
0x1a8: {  	v34 =	vpop (erf)  }
0x1a9: {  	v35 =	vadd.f32 $2.000000000e+00, v34;
	_ =	sdelay $0x1  }
0x1aa: {  	(erf) = vrcp.f32 v35;
	_ =	sdelay $0x8  }
0x1ab: {  	v8 =	vpop (erf)  }
0x1ac: {  	v7 =	vmul.f32 v8, v34;
	_ =	sdelay $0x1  }
0x1ad: {  	v8 =	vmul.f32 v7, v7;
	_ =	sdelay $0x1  }
0x1ae: {  	v36 =	vmul.f32 $2.222222240e-01, v8;
	_ =	sdelay $0x1  }
0x1af: {  	v9 =	vadd.f32 $2.857142980e-01, v36;
	_ =	sdelay $0x1  }
0x1b0: {  	v9 =	vmul.f32 v9, v8;
	_ =	sdelay $0x1  }
0x1b1: {  	v9 =	vadd.f32 $4.000000060e-01, v9;
	_ =	sdelay $0x1  }
0x1b2: {  	v9 =	vmul.f32 v9, v8;
	_ =	sdelay $0x1  }
0x1b3: {  	v9 =	vadd.f32 $6.666666860e-01, v9;
	_ =	sdelay $0x1  }
0x1b4: {  	v8 =	vmul.f32 v9, v8;
	_ =	sdelay $0x1  }
0x1b5: {  	v8 =	vadd.f32 $2.000000000e+00, v8;
	_ =	sdelay $0x1  }
0x1b6: {  	v7 =	vmul.f32 v8, v7  }
0x1b7: {  	v5 =	vmax.f32 v5, $0.0e+00  }
0x1b8: {  	v5 =	vadd.f32 v7, v5;
	_ =	sdelay $0x1  }
0x1b9: {  	v5 =	vmul.f32 v5, v33;
	_ =	sdelay $0x1  }
0x1ba: {  	v5 =	vmul.f32 v5, v4;
	_ =	sdelay $0x1  }
0x1bb: {  	[tilespmem:s18+$0x0] =	vst v5  }
0x1bc: {  	v5 =	vld [tilespmem:s7+$0x750]  }
0x1bd: {  	v37 =	vld [tilespmem:s7+$0x2F50];
	_ =	sdelay $0x1  }
0x1be: {  	v38 =	vld [tilespmem:s7+$0x5750];
	_ =	sdelay $0x2  }
0x1bf: {  	v5 =	vadd.f32 v37, v5;
	_ =	sdelay $0x1  }
0x1c0: {  	v5 =	vadd.f32 v38, v5;
	_ =	sdelay $0x1  }
0x1c1: {  	v5 =	vsub.f32 $0.0e+00, v5;
	_ =	sdelay $0x1  }
0x1c2: {  	v39 =	vld [tilespmem:s7+$0xB50];
	v5 =	vmul.f32 $1.442695020e+00, v5  }
0x1c3: {  	v40 =	vld [tilespmem:s7+$0x3350]  }
0x1c4: {  	(erf) = vpow2.f32 v5  }
0x1c5: {  	v5 =	vld [tilespmem:s7+$0x5B50];
	_ =	sdelay $0x2  }
0x1c6: {  	v6 =	vadd.f32 v40, v39;
	_ =	sdelay $0x1  }
0x1c7: {  	v5 =	vadd.f32 v5, v6;
	_ =	sdelay $0x1  }
0x1c8: {  	v6 =	vand.u32 $0x7FFFFFFF, v5  }
0x1c9: {  	v6 =	vsub.f32 $0.0e+00, v6;
	v41 =	vpop (erf)  }
0x1ca: {  	v7 =	vadd.f32 $1.000000000e+00, v41  }
0x1cb: {  	v6 =	vmul.f32 $1.442695020e+00, v6  }
0x1cc: {  	(erf) = vrcp.f32 v7  }
0x1cd: {  	(erf) = vpow2.f32 v6;
	_ =	sdelay $0x7  }
0x1ce: {  	v42 =	vpop (erf)  }
0x1cf: {  	v43 =	vpop (erf)  }
0x1d0: {  	v44 =	vadd.f32 $2.000000000e+00, v43;
	_ =	sdelay $0x1  }
0x1d1: {  	(erf) = vrcp.f32 v44;
	_ =	sdelay $0x8  }
0x1d2: {  	v8 =	vpop (erf)  }
0x1d3: {  	v7 =	vmul.f32 v8, v43;
	_ =	sdelay $0x1  }
0x1d4: {  	v8 =	vmul.f32 v7, v7;
	_ =	sdelay $0x1  }
0x1d5: {  	v45 =	vmul.f32 $2.222222240e-01, v8;
	_ =	sdelay $0x1  }
0x1d6: {  	v9 =	vadd.f32 $2.857142980e-01, v45;
	_ =	sdelay $0x1  }
0x1d7: {  	v9 =	vmul.f32 v9, v8;
	_ =	sdelay $0x1  }
0x1d8: {  	v9 =	vadd.f32 $4.000000060e-01, v9;
	_ =	sdelay $0x1  }
0x1d9: {  	v9 =	vmul.f32 v9, v8;
	_ =	sdelay $0x1  }
0x1da: {  	v9 =	vadd.f32 $6.666666860e-01, v9;
	_ =	sdelay $0x1  }
0x1db: {  	v8 =	vmul.f32 v9, v8;
	_ =	sdelay $0x1  }
0x1dc: {  	v8 =	vadd.f32 $2.000000000e+00, v8;
	_ =	sdelay $0x1  }
0x1dd: {  	v7 =	vmul.f32 v8, v7  }
0x1de: {  	v5 =	vmax.f32 v5, $0.0e+00  }
0x1df: {  	v5 =	vadd.f32 v7, v5;
	_ =	sdelay $0x1  }
0x1e0: {  	v5 =	vmul.f32 v5, v42;
	_ =	sdelay $0x1  }
0x1e1: {  	v5 =	vmul.f32 v5, v4;
	_ =	sdelay $0x1  }
0x1e2: {  	[tilespmem:s18+$0x10] =	vst v5  }
0x1e3: {  	v5 =	vld [tilespmem:s7+$0x760]  }
0x1e4: {  	v46 =	vld [tilespmem:s7+$0x2F60];
	_ =	sdelay $0x1  }
0x1e5: {  	v47 =	vld [tilespmem:s7+$0x5760];
	_ =	sdelay $0x2  }
0x1e6: {  	v5 =	vadd.f32 v46, v5;
	_ =	sdelay $0x1  }
0x1e7: {  	v5 =	vadd.f32 v47, v5;
	_ =	sdelay $0x1  }
0x1e8: {  	v5 =	vsub.f32 $0.0e+00, v5;
	_ =	sdelay $0x1  }
0x1e9: {  	v48 =	vld [tilespmem:s7+$0xB60];
	v5 =	vmul.f32 $1.442695020e+00, v5  }
0x1ea: {  	v49 =	vld [tilespmem:s7+$0x3360]  }
0x1eb: {  	(erf) = vpow2.f32 v5  }
0x1ec: {  	v5 =	vld [tilespmem:s7+$0x5B60];
	_ =	sdelay $0x2  }
0x1ed: {  	v6 =	vadd.f32 v49, v48;
	_ =	sdelay $0x1  }
0x1ee: {  	v5 =	vadd.f32 v5, v6;
	_ =	sdelay $0x1  }
0x1ef: {  	v6 =	vand.u32 $0x7FFFFFFF, v5  }
0x1f0: {  	v6 =	vsub.f32 $0.0e+00, v6;
	v50 =	vpop (erf)  }
0x1f1: {  	v7 =	vadd.f32 $1.000000000e+00, v50  }
0x1f2: {  	v6 =	vmul.f32 $1.442695020e+00, v6  }
0x1f3: {  	(erf) = vrcp.f32 v7  }
0x1f4: {  	(erf) = vpow2.f32 v6;
	_ =	sdelay $0x7  }
0x1f5: {  	v51 =	vpop (erf)  }
0x1f6: {  	v52 =	vpop (erf)  }
0x1f7: {  	v53 =	vadd.f32 $2.000000000e+00, v52;
	_ =	sdelay $0x1  }
0x1f8: {  	(erf) = vrcp.f32 v53;
	_ =	sdelay $0x8  }
0x1f9: {  	v8 =	vpop (erf)  }
0x1fa: {  	v7 =	vmul.f32 v8, v52;
	_ =	sdelay $0x1  }
0x1fb: {  	v8 =	vmul.f32 v7, v7;
	_ =	sdelay $0x1  }
0x1fc: {  	v54 =	vmul.f32 $2.222222240e-01, v8;
	_ =	sdelay $0x1  }
0x1fd: {  	v9 =	vadd.f32 $2.857142980e-01, v54;
	_ =	sdelay $0x1  }
0x1fe: {  	v9 =	vmul.f32 v9, v8;
	_ =	sdelay $0x1  }
0x1ff: {  	v9 =	vadd.f32 $4.000000060e-01, v9;
	_ =	sdelay $0x1  }
0x200: {  	v9 =	vmul.f32 v9, v8;
	_ =	sdelay $0x1  }
0x201: {  	v9 =	vadd.f32 $6.666666860e-01, v9;
	_ =	sdelay $0x1  }
0x202: {  	v8 =	vmul.f32 v9, v8;
	_ =	sdelay $0x1  }
0x203: {  	v8 =	vadd.f32 $2.000000000e+00, v8;
	_ =	sdelay $0x1  }
0x204: {  	v7 =	vmul.f32 v8, v7  }
0x205: {  	v5 =	vmax.f32 v5, $0.0e+00  }
0x206: {  	v5 =	vadd.f32 v7, v5;
	_ =	sdelay $0x1  }
0x207: {  	v5 =	vmul.f32 v5, v51;
	_ =	sdelay $0x1  }
0x208: {  	v5 =	vmul.f32 v5, v4;
	_ =	sdelay $0x1  }
0x209: {  	[tilespmem:s18+$0x20] =	vst v5  }
0x20a: {  	v5 =	vld [tilespmem:s7+$0x770]  }
0x20b: {  	v55 =	vld [tilespmem:s7+$0x2F70];
	_ =	sdelay $0x1  }
0x20c: {  	v56 =	vld [tilespmem:s7+$0x5770];
	_ =	sdelay $0x2  }
0x20d: {  	v5 =	vadd.f32 v55, v5;
	_ =	sdelay $0x1  }
0x20e: {  	v5 =	vadd.f32 v56, v5;
	_ =	sdelay $0x1  }
0x20f: {  	v5 =	vsub.f32 $0.0e+00, v5;
	_ =	sdelay $0x1  }
0x210: {  	v57 =	vld [tilespmem:s7+$0xB70];
	v5 =	vmul.f32 $1.442695020e+00, v5  }
0x211: {  	v58 =	vld [tilespmem:s7+$0x3370]  }
0x212: {  	(erf) = vpow2.f32 v5  }
0x213: {  	v5 =	vld [tilespmem:s7+$0x5B70];
	_ =	sdelay $0x2  }
0x214: {  	v6 =	vadd.f32 v58, v57;
	_ =	sdelay $0x1  }
0x215: {  	v5 =	vadd.f32 v5, v6;
	_ =	sdelay $0x1  }
0x216: {  	v6 =	vand.u32 $0x7FFFFFFF, v5  }
0x217: {  	v6 =	vsub.f32 $0.0e+00, v6;
	v59 =	vpop (erf)  }
0x218: {  	v7 =	vadd.f32 $1.000000000e+00, v59  }
0x219: {  	v6 =	vmul.f32 $1.442695020e+00, v6  }
0x21a: {  	(erf) = vrcp.f32 v7  }
0x21b: {  	(erf) = vpow2.f32 v6;
	_ =	sdelay $0x7  }
0x21c: {  	v60 =	vpop (erf)  }
0x21d: {  	v61 =	vpop (erf)  }
0x21e: {  	v62 =	vadd.f32 $2.000000000e+00, v61;
	_ =	sdelay $0x1  }
0x21f: {  	(erf) = vrcp.f32 v62;
	_ =	sdelay $0x8  }
0x220: {  	v8 =	vpop (erf)  }
0x221: {  	v7 =	vmul.f32 v8, v61;
	_ =	sdelay $0x1  }
0x222: {  	v8 =	vmul.f32 v7, v7;
	_ =	sdelay $0x1  }
0x223: {  	v63 =	vmul.f32 $2.222222240e-01, v8;
	_ =	sdelay $0x1  }
0x224: {  	v9 =	vadd.f32 $2.857142980e-01, v63;
	_ =	sdelay $0x1  }
0x225: {  	v9 =	vmul.f32 v9, v8;
	_ =	sdelay $0x1  }
0x226: {  	v9 =	vadd.f32 $4.000000060e-01, v9;
	_ =	sdelay $0x1  }
0x227: {  	v9 =	vmul.f32 v9, v8;
	_ =	sdelay $0x1  }
0x228: {  	v9 =	vadd.f32 $6.666666860e-01, v9;
	_ =	sdelay $0x1  }
0x229: {  	v8 =	vmul.f32 v9, v8;
	_ =	sdelay $0x1  }
0x22a: {  	v8 =	vadd.f32 $2.000000000e+00, v8;
	_ =	sdelay $0x1  }
0x22b: {  	v7 =	vmul.f32 v8, v7  }
0x22c: {  	v5 =	vmax.f32 v5, $0.0e+00  }
0x22d: {  	v5 =	vadd.f32 v7, v5  }
0x22e: {  	p1 =	sne.s32 s21, $0x2700  }
.Ltmp2:
0x22f: {  	v5 =	vmul.f32 v5, v60;
	(pc) =	sbr.rel @p1 .LBB2_8-.Ltmp2, $4  }
0x230: {  	_ = 	snop  }
0x231: {  	v4 =	vmul.f32 v5, v4  }
0x232: {  	s19 =	sadd.s32 $0x80, s19  }
0x233: {  	s21 =	sadd.s32 $0x100, s21;
	s3 =	sadd.s32 $0x1, s3;
	[tilespmem:s18+$0x30] =	vst v4;
	s18 =	sadd.s32 $0x80, s18  }
0x234: {  	s17 =	sadd.s32 $0x1, s17  }
0x235: {  	p1 =	sne.s32 s17, $0xA  }
.Ltmp3:
0x236: {  	s3 =	rddreg [dreg:$0x3];
	(pc) =	sbr.rel @p1 .LBB2_7-.Ltmp3, $4  }
0x237: {  	[spmem:s3] =	stream.indirect.scatter.add.f32 [tilespmem:s23], [sflag:$0x2], $0x80, s16, s14, $0xb8;
	[tilespmem:$0x1D300] =	vst v63  }
0x238: {  	_ =	swait.ge [sflag:s12], $0x1400  }
0x239: {  	[sflag:s12] =	ssyncset.done $0x0  }
0x23a: {  	s20 =	sadd.s32 $0x28, s20;
	[sflag:s12] =	ssyncadd.s32 $0xFFFFEC00  }
0x23b: {  	s3 =	rddreg [dreg:$0x1d]  }
0x23c: {  	s3 =	sadd.s32 $0x1, s3  }
0x23d: {  	p1 =	sne.s32 s3, $0x19  }
.Ltmp4:
0x23e: {  	_ = 	snop;
	(pc) =	sbr.rel @p1 .LBB2_4-.Ltmp4, $1  }
0x23f: {  	_ =	sdelay $0x3  }
0x240: {  	s3 =	stileid.u32;
	[bflag:$0x0] =	sbarrier.arrive $0xFFFF  }
0x241: {  	s3 =	sshll.u32 s3, $0x6;
	s7 =	rddreg [dreg:$0x12]  }
0x242: {  	s9 =	rddreg [dreg:$0x15];
	s3 =	sor.u32 $0x1C02, s3  }
0x243: {  	[hbm:s7], [sflag:s3] =	dma.local [spmem:s9], $0x2700  }
0x244: {  	_ =	swait.ge [sflag:s12], $0x2700  }
0x245: {  	[sflag:s12] =	ssyncset.done $0x0;
	s7 =	rddreg [dreg:$0x13]  }
0x246: {  	s9 =	rddreg [dreg:$0x16];
	[sflag:s12] =	ssyncadd.s32 $0xFFFFD900  }
0x247: {  	[hbm:s7], [sflag:s3] =	dma.local @!p0 [spmem:s9], $0x100  }
0x248: {  	s3 =	simm.s32 @!p0 $0x2  }
0x249: {  	_ =	swait.ge @!p0 [sflag:s3], $0x100  }
0x24a: {  	s11 =	rddreg [dreg:$0x5]  }
0x24b: {  	s22 =	rddreg [dreg:$0x14];
	s11 =	sadd.s32 $0x1, s11  }
0x24c: {  	p1 =	sne.s32 s11, s22  }
.Ltmp5:
0x24d: {  	_ = 	snop;
	(pc) =	sbr.rel @p1 .LBB2_1-.Ltmp5, $3  }
0x24e: {  	_ =	sdelay $0x1  }
0x24f: {  	[sflag:s3] =	ssyncset.done @!p0 $0x0  }
0x250: {  	[sflag:s3] =	ssyncadd.s32 @!p0 $0xFFFFFF00  }
0x251: {  	_ =	sfence.sel $0x180000  }
0x252: {  	[bflag:$0x0] =	sbarrier.arrive $0xFFFF  }
0x253: {  	_ =	strace $0x90000047  }
0x254: {  	[bflag:$0x2] =	sbarrier.arrive $0xFFFF  }
0x255: {  	s0 =	rddreg [dreg:$0x4]  }
0x256: {  	s0 =	sadd.s32 @!p0 $0x100000, s0  }
0x257: {  	[sflag:s0] =	ssyncadd.tile.s32 @!p0 $0x1;
	_ =	shalt  }
.Lfunc_end2:
_tile_overlayer_lowered:
.L_overlay_start_2:
0x258: {  	(tag) =	ssettag $0x2  }
0x259: {  	s0 =	rddreg [dreg:$0x0];
	s2 =	stileid.u32  }
0x25a: {  	s1 =	rddreg [dreg:$0x1];
	p0 =	sne.s32 s2, $0x0  }
0x25b: {  	s3 =	rddreg [dreg:$0x2];
	[bflag:$0x3] =	sbarrier.arrive $0xFFFF;
	s2 =	simm.s32 @!p0 $0x1C02  }
0x25c: {  	[timem:s3], [sflag:s2] =	dma.local @!p0 [hbm:s0], s1  }
0x25d: {  	s0 =	simm.s32 @!p0 $0x2  }
0x25e: {  	_ =	swait.ge @!p0 [sflag:s0], s1  }
0x25f: {  	s1 =	ssub.s32 @!p0 $0x0, s1;
	[sflag:s0] =	ssyncset.done @!p0 $0x0  }
0x260: {  	[sflag:s0] =	ssyncadd.s32 @!p0 s1  }
0x261: {  	[bflag:$0x3] =	sbarrier.arrive $0xFFFF  }
0x262: {  	_ =	shalt  }

</sc_bundles>
